<compile_context>
chip_gen: v7x
topology: tpu7x:2x2x1
jax: 0.10.2.dev20260603
libtpu: 0.0.44.dev20260713+nightly
codegen_flags: <defaults>
</compile_context>

<pallas_src>
import functools

import jax
import jax.numpy as jnp
from jax import lax
from jax.experimental import pallas as pl
from jax.experimental.pallas import tpu as pltpu
from jax.experimental.pallas import tpu_sc as plsc

_F = 4096
_NW = 32
_CI = 4
_CO = 8
_L = 16


def _build_permute(n_rows):
    rows_per_w = n_rows // _NW
    nog = rows_per_w // _CO
    nic = rows_per_w // _CI
    mesh = plsc.VectorSubcoreMesh(core_axis_name="c", subcore_axis_name="s")

    @functools.partial(
        pl.kernel,
        mesh=mesh,
        out_type=jax.ShapeDtypeStruct((n_rows, _F), jnp.float32),
        compiler_params=pltpu.CompilerParams(
            needs_layout_passes=False,
        ),
        scratch_types=[
            pltpu.VMEM((_F,), jnp.int32),
            pltpu.VMEM((_CI, _F), jnp.float32),
            pltpu.VMEM((_CI, _F), jnp.float32),
            pltpu.VMEM((_CO, _F), jnp.float32),
            pltpu.VMEM((_CO, _F), jnp.float32),
            pltpu.SemaphoreType.DMA,
            pltpu.SemaphoreType.DMA,
            pltpu.SemaphoreType.DMA,
            pltpu.SemaphoreType.DMA,
        ],
    )
    def k(x_hbm, perm_hbm, out_hbm, perm_v, i0, i1, o0, o1, si0, si1, so0, so1):
        ins, outs = (i0, i1), (o0, o1)
        sis, sos = (si0, si1), (so0, so1)
        wid = lax.axis_index("s") * 2 + lax.axis_index("c")
        pltpu.sync_copy(perm_hbm, perm_v)

        def in_slice(ic):
            og, h = ic // 2, ic % 2
            return x_hbm.at[pl.ds((wid + og * _NW) * _CO + h * _CI, _CI)]

        def out_slice(og):
            return out_hbm.at[pl.ds((wid + og * _NW) * _CO, _CO)]

        pltpu.async_copy(in_slice(0), i0, si0)
        pltpu.async_copy(in_slice(1), i1, si1)

        @pl.loop(0, nog, step=2)
        def group(g):
            for b in range(2):
                og = g + b
                out_v = outs[b]

                @pl.when(og >= 2)
                def _wait_out():
                    pltpu.make_async_copy(out_v, out_slice(og), sos[b]).wait()

                for h in range(2):
                    ic = 2 * og + h
                    in_v = ins[h]
                    pltpu.make_async_copy(in_slice(ic), in_v, sis[h]).wait()

                    @plsc.parallel_loop(0, _F // _L, unroll=8)
                    def col(j):
                        pcol = perm_v[pl.ds(j * _L, _L)]
                        for r in range(_CI):
                            rvec = jnp.full((_L,), r, jnp.int32)
                            out_v[_CI * h + r, pl.ds(j * _L, _L)] = (
                                plsc.load_gather(in_v, [rvec, pcol])
                            )

                    @pl.when(ic + 2 < nic)
                    def _next_in():
                        pltpu.async_copy(in_slice(ic + 2), in_v, sis[h])

                pltpu.async_copy(out_v, out_slice(og), sos[b])

        pltpu.make_async_copy(o0, out_slice(0), so0).wait()
        pltpu.make_async_copy(o1, out_slice(1), so1).wait()

    return k


_PERMUTE = _build_permute(4 * 4096)


def kernel(x, perm):
    b, s, f = x.shape
    out = _PERMUTE(x.reshape(b * s, f), perm.astype(jnp.int32))
    return out.reshape(b, s, f)

# --- scband reference (transcript-rebuilt; emitter-appended) ---
"""Pipeline reference for scband-feature-permutation-63239098466765 (READ-ONLY COPY).

The authoritative reference and input builder live on the scoring server;
editing this copy changes nothing except your own understanding.
"""

import jax, jax.numpy as jnp
import numpy as np

FEATURE_DIM = 4096

def _make_perm():
    # random permutation with fixed seed (mode='random', seed=0)
    rng = np.random.default_rng(0)
    perm = rng.permutation(FEATURE_DIM).astype(np.int64)
    return jnp.asarray(perm)

def setup_inputs(seed: int = 0) -> dict:
    key = jax.random.key(seed)
    x = jax.random.normal(key, (4, 4096, FEATURE_DIM), dtype=jnp.float32)
    perm = _make_perm()
    return {"x": x, "perm": perm}

def reference(x, perm):
    # forward: x[..., perm] -- pure gather along the last (feature) dimension
    return jnp.take(x, perm, axis=-1)

if __name__ == "__main__":
    import jax
    _d = setup_inputs()
    print(jax.jit(kernel)(*tuple(_d.values())))

</pallas_src>

<mosaic_0001>
#map = affine_map<(d0, d1) -> (0, 0)>
#map1 = affine_map<(d0, d1) -> (0)>
module attributes {stable_mosaic.version = 14 : i64} {
  func.func @k(%arg0: i32, %arg1: i32, %arg2: memref<16384x4096xf32, #tpu.memory_space<hbm>>, %arg3: memref<4096xi32, #tpu.memory_space<hbm>>, %arg4: memref<16384x4096xf32, #tpu.memory_space<hbm>>, %arg5: memref<4096xi32, #tpu.memory_space<vmem>>, %arg6: memref<4x4096xf32, #tpu.memory_space<vmem>>, %arg7: memref<4x4096xf32, #tpu.memory_space<vmem>>, %arg8: memref<8x4096xf32, #tpu.memory_space<vmem>>, %arg9: memref<8x4096xf32, #tpu.memory_space<vmem>>, %arg10: memref<!tpu.dma_semaphore, #tpu.memory_space<semaphore_mem>>, %arg11: memref<!tpu.dma_semaphore, #tpu.memory_space<semaphore_mem>>, %arg12: memref<!tpu.dma_semaphore, #tpu.memory_space<semaphore_mem>>, %arg13: memref<!tpu.dma_semaphore, #tpu.memory_space<semaphore_mem>>) attributes {dimension_semantics = [#tpu.dimension_semantics<core_parallel>, #tpu.dimension_semantics<subcore_parallel>], iteration_bounds = array<i64: 2, 16>, scalar_prefetch = 0 : i64, scratch_operands = 9 : i64, tpu.core_type = #tpu.core_type<sc_vector_subcore>, window_params = [{transform_indices = #map}, {transform_indices = #map1}, {transform_indices = #map}]} {
    %mul3A = arith.constant 2 : i32
    %mul3A_0 = arith.muli %arg1, %mul3A : i32
    %add3A = arith.addi %mul3A_0, %arg0 : i32
    "tpu.region"() ({
      %run_scoped3A = tpu.sem_alloc : memref<!tpu.dma_semaphore, #tpu.memory_space<semaphore_mem>>
      tpu.enqueue_dma source(%arg3 : memref<4096xi32, #tpu.memory_space<hbm>>) target(%arg5 : memref<4096xi32, #tpu.memory_space<vmem>>) target_semaphore(%run_scoped3A : memref<!tpu.dma_semaphore, #tpu.memory_space<semaphore_mem>>)
      tpu.wait_dma2 semaphore(%run_scoped3A : memref<!tpu.dma_semaphore, #tpu.memory_space<semaphore_mem>>) src(%arg3 : memref<4096xi32, #tpu.memory_space<hbm>>) dst(%arg5 : memref<4096xi32, #tpu.memory_space<vmem>>)
      tpu.yield
    }) : () -> ()
    %add3A_1 = arith.constant 0 : i32
    %add3A_2 = arith.addi %add3A, %add3A_1 : i32
    %mul3A_3 = arith.constant 8 : i32
    %mul3A_4 = arith.muli %add3A_2, %mul3A_3 : i32
    %add3A_5 = arith.constant 0 : i32
    %add3A_6 = arith.addi %mul3A_4, %add3A_5 : i32
    %dma_start3A = arith.constant 0 : i32
    %dma_start3A_7 = tpu.memref_slice %arg2[%add3A_6, %dma_start3A] : memref<16384x4096xf32, #tpu.memory_space<hbm>> -> memref<4x4096xf32, #tpu.memory_space<hbm>>
    %dma_start3A_8 = arith.constant 0 : i32
    %dma_start3A_9 = tpu.memref_slice %arg2[%add3A_6, %dma_start3A_8] : memref<16384x4096xf32, #tpu.memory_space<hbm>> -> memref<4x4096xf32, #tpu.memory_space<hbm>>
    tpu.enqueue_dma source(%dma_start3A_9 : memref<4x4096xf32, #tpu.memory_space<hbm>>) target(%arg6 : memref<4x4096xf32, #tpu.memory_space<vmem>>) target_semaphore(%arg10 : memref<!tpu.dma_semaphore, #tpu.memory_space<semaphore_mem>>)
    %add3A_10 = arith.constant 0 : i32
    %add3A_11 = arith.addi %add3A, %add3A_10 : i32
    %mul3A_12 = arith.constant 8 : i32
    %mul3A_13 = arith.muli %add3A_11, %mul3A_12 : i32
    %add3A_14 = arith.constant 4 : i32
    %add3A_15 = arith.addi %mul3A_13, %add3A_14 : i32
    %dma_start3A_16 = arith.constant 0 : i32
    %dma_start3A_17 = tpu.memref_slice %arg2[%add3A_15, %dma_start3A_16] : memref<16384x4096xf32, #tpu.memory_space<hbm>> -> memref<4x4096xf32, #tpu.memory_space<hbm>>
    %dma_start3A_18 = arith.constant 0 : i32
    %dma_start3A_19 = tpu.memref_slice %arg2[%add3A_15, %dma_start3A_18] : memref<16384x4096xf32, #tpu.memory_space<hbm>> -> memref<4x4096xf32, #tpu.memory_space<hbm>>
    tpu.enqueue_dma source(%dma_start3A_19 : memref<4x4096xf32, #tpu.memory_space<hbm>>) target(%arg7 : memref<4x4096xf32, #tpu.memory_space<vmem>>) target_semaphore(%arg11 : memref<!tpu.dma_semaphore, #tpu.memory_space<semaphore_mem>>)
    %scan3A = arith.constant 0 : i32
    %scan3A_20 = arith.constant 32 : i32
    %scan3A_21 = arith.addi %scan3A, %scan3A_20 : i32
    %scan3A_22 = arith.constant 1 : i32
    scf.for %scan3A_39 = %scan3A to %scan3A_21 step %scan3A_22  : i32 {
      %mul3A_40 = arith.constant 2 : i32
      %mul3A_41 = arith.muli %scan3A_39, %mul3A_40 : i32
      %add3A_42 = arith.constant 0 : i32
      %add3A_43 = arith.addi %add3A_42, %mul3A_41 : i32
      %add3A_44 = arith.constant 0 : i32
      %add3A_45 = arith.addi %add3A_43, %add3A_44 : i32
      %ge3A = arith.constant 2 : i32
      %ge3A_46 = arith.cmpi sge, %add3A_45, %ge3A : i32
      %convert_element_type3A = arith.extui %ge3A_46 : i1 to i32
      %cond3A = arith.constant 0 : i32
      %cond3A_47 = arith.cmpi ne, %convert_element_type3A, %cond3A : i32
      scf.if %cond3A_47 {
        %mul3A_326 = arith.constant 32 : i32
        %mul3A_327 = arith.muli %add3A_45, %mul3A_326 : i32
        %add3A_328 = arith.addi %add3A, %mul3A_327 : i32
        %mul3A_329 = arith.constant 8 : i32
        %mul3A_330 = arith.muli %add3A_328, %mul3A_329 : i32
        %dma_wait3A_331 = arith.constant 0 : i32
        %dma_wait3A_332 = tpu.memref_slice %arg4[%mul3A_330, %dma_wait3A_331] : memref<16384x4096xf32, #tpu.memory_space<hbm>> -> memref<8x4096xf32, #tpu.memory_space<hbm>>
        %dma_wait3A_333 = arith.constant 0 : i32
        %dma_wait3A_334 = tpu.memref_slice %arg4[%mul3A_330, %dma_wait3A_333] : memref<16384x4096xf32, #tpu.memory_space<hbm>> -> memref<8x4096xf32, #tpu.memory_space<hbm>>
        tpu.wait_dma2 semaphore(%arg12 : memref<!tpu.dma_semaphore, #tpu.memory_space<semaphore_mem>>) src(%arg8 : memref<8x4096xf32, #tpu.memory_space<vmem>>) dst(%dma_wait3A_334 : memref<8x4096xf32, #tpu.memory_space<hbm>>)
      } else {
      }
      %mul3A_48 = arith.constant 2 : i32
      %mul3A_49 = arith.muli %mul3A_48, %add3A_45 : i32
      %add3A_50 = arith.constant 0 : i32
      %add3A_51 = arith.addi %mul3A_49, %add3A_50 : i32
      %jit3A = arith.constant 2 : i32
      %div3A = arith.divsi %add3A_51, %jit3A : i32
      %sign3A = arith.constant 0 : i32
      %sign3A_52 = arith.cmpi sgt, %add3A_51, %sign3A : i32
      %sign3A_53 = arith.extui %sign3A_52 : i1 to i32
      %sign3A_54 = arith.constant 0 : i32
      %sign3A_55 = arith.cmpi slt, %add3A_51, %sign3A_54 : i32
      %sign3A_56 = arith.extui %sign3A_55 : i1 to i32
      %sign3A_57 = arith.subi %sign3A_53, %sign3A_56 : i32
      %sign3A_58 = arith.constant 0 : i32
      %sign3A_59 = arith.cmpi sgt, %jit3A, %sign3A_58 : i32
      %sign3A_60 = arith.extui %sign3A_59 : i1 to i32
      %sign3A_61 = arith.constant 0 : i32
      %sign3A_62 = arith.cmpi slt, %jit3A, %sign3A_61 : i32
      %sign3A_63 = arith.extui %sign3A_62 : i1 to i32
      %sign3A_64 = arith.subi %sign3A_60, %sign3A_63 : i32
      %ne3A = arith.cmpi ne, %sign3A_57, %sign3A_64 : i32
      %rem3A = arith.remsi %add3A_51, %jit3A : i32
      %ne3A_65 = arith.constant 0 : i32
      %ne3A_66 = arith.cmpi ne, %rem3A, %ne3A_65 : i32
      %and3A = arith.andi %ne3A, %ne3A_66 : i1
      %sub3A = arith.constant 1 : i32
      %sub3A_67 = arith.subi %div3A, %sub3A : i32
      %select_n3A = arith.select %and3A, %sub3A_67, %div3A : i32
      %jit3A_68 = arith.constant 2 : i32
      %eq3A = arith.constant 0 : i32
      %eq3A_69 = arith.cmpi eq, %jit3A_68, %eq3A : i32
      %jit3A_70 = arith.constant 1 : i32
      %select_n3A_71 = arith.select %eq3A_69, %jit3A_70, %jit3A_68 : i32
      %rem3A_72 = arith.remsi %add3A_51, %select_n3A_71 : i32
      %ne3A_73 = arith.constant 0 : i32
      %ne3A_74 = arith.cmpi ne, %rem3A_72, %ne3A_73 : i32
      %lt3A = arith.constant 0 : i32
      %lt3A_75 = arith.cmpi slt, %rem3A_72, %lt3A : i32
      %lt3A_76 = arith.constant 0 : i32
      %lt3A_77 = arith.cmpi slt, %select_n3A_71, %lt3A_76 : i32
      %ne3A_78 = arith.xori %lt3A_75, %lt3A_77 : i1
      %and3A_79 = arith.andi %ne3A_78, %ne3A_74 : i1
      %add3A_80 = arith.addi %rem3A_72, %select_n3A_71 : i32
      %select_n3A_81 = arith.select %and3A_79, %add3A_80, %rem3A_72 : i32
      %mul3A_82 = arith.constant 32 : i32
      %mul3A_83 = arith.muli %select_n3A, %mul3A_82 : i32
      %add3A_84 = arith.addi %add3A, %mul3A_83 : i32
      %mul3A_85 = arith.constant 8 : i32
      %mul3A_86 = arith.muli %add3A_84, %mul3A_85 : i32
      %mul3A_87 = arith.constant 4 : i32
      %mul3A_88 = arith.muli %select_n3A_81, %mul3A_87 : i32
      %add3A_89 = arith.addi %mul3A_86, %mul3A_88 : i32
      %dma_wait3A_90 = arith.constant 0 : i32
      %dma_wait3A_91 = tpu.memref_slice %arg2[%add3A_89, %dma_wait3A_90] : memref<16384x4096xf32, #tpu.memory_space<hbm>> -> memref<4x4096xf32, #tpu.memory_space<hbm>>
      %dma_wait3A_92 = arith.constant 0 : i32
      %dma_wait3A_93 = tpu.memref_slice %arg2[%add3A_89, %dma_wait3A_92] : memref<16384x4096xf32, #tpu.memory_space<hbm>> -> memref<4x4096xf32, #tpu.memory_space<hbm>>
      tpu.wait_dma2 semaphore(%arg10 : memref<!tpu.dma_semaphore, #tpu.memory_space<semaphore_mem>>) src(%dma_wait3A_93 : memref<4x4096xf32, #tpu.memory_space<hbm>>) dst(%arg6 : memref<4x4096xf32, #tpu.memory_space<vmem>>)
      %parallel_loop3A = arith.constant 0 : i32
      %parallel_loop3A_94 = arith.constant 256 : i32
      %parallel_loop3A_95 = arith.constant 1 : i32
      scf.for %parallel_loop3A_326 = %parallel_loop3A to %parallel_loop3A_94 step %parallel_loop3A_95  : i32 {
        %parallel_loop3A_327 = arith.constant 16 : i32
        %parallel_loop3A_328 = arith.muli %parallel_loop3A_326, %parallel_loop3A_327 : i32
        %parallel_loop3A_329 = arith.index_cast %parallel_loop3A_328 : i32 to index
        %parallel_loop3A_330 = tpu.vector_load %arg5[%parallel_loop3A_329] {strides = array<i32>} : memref<4096xi32, #tpu.memory_space<vmem>>, vector<16xi32>,
        %parallel_loop3A_331 = arith.constant 0 : i32
        %parallel_loop3A_332 = vector.broadcast %parallel_loop3A_331 : i32 to vector<16xi32>
        %parallel_loop3A_333 = tpu.vector_load_idx %arg6[%parallel_loop3A_332, %parallel_loop3A_330] : memref<4x4096xf32, #tpu.memory_space<vmem>>[vector<16xi32>, vector<16xi32>], vector<16xf32>,
        %parallel_loop3A_334 = arith.constant 16 : i32
        %parallel_loop3A_335 = arith.muli %parallel_loop3A_326, %parallel_loop3A_334 : i32
        %parallel_loop3A_336 = arith.constant 0 : i32
        %parallel_loop3A_337 = arith.index_cast %parallel_loop3A_336 : i32 to index
        %parallel_loop3A_338 = arith.index_cast %parallel_loop3A_335 : i32 to index
        %parallel_loop3A_339 = tpu.vector_load %arg8[%parallel_loop3A_337, %parallel_loop3A_338] {strides = array<i32>} : memref<8x4096xf32, #tpu.memory_space<vmem>>, vector<16xf32>,
        tpu.vector_store %arg8[%parallel_loop3A_337, %parallel_loop3A_338], %parallel_loop3A_333 {strides = array<i32>} : memref<8x4096xf32, #tpu.memory_space<vmem>>, vector<16xf32>,
        %parallel_loop3A_340 = arith.constant 1 : i32
        %parallel_loop3A_341 = vector.broadcast %parallel_loop3A_340 : i32 to vector<16xi32>
        %parallel_loop3A_342 = tpu.vector_load_idx %arg6[%parallel_loop3A_341, %parallel_loop3A_330] : memref<4x4096xf32, #tpu.memory_space<vmem>>[vector<16xi32>, vector<16xi32>], vector<16xf32>,
        %parallel_loop3A_343 = arith.constant 16 : i32
        %parallel_loop3A_344 = arith.muli %parallel_loop3A_326, %parallel_loop3A_343 : i32
        %parallel_loop3A_345 = arith.constant 1 : i32
        %parallel_loop3A_346 = arith.index_cast %parallel_loop3A_345 : i32 to index
        %parallel_loop3A_347 = arith.index_cast %parallel_loop3A_344 : i32 to index
        %parallel_loop3A_348 = tpu.vector_load %arg8[%parallel_loop3A_346, %parallel_loop3A_347] {strides = array<i32>} : memref<8x4096xf32, #tpu.memory_space<vmem>>, vector<16xf32>,
        tpu.vector_store %arg8[%parallel_loop3A_346, %parallel_loop3A_347], %parallel_loop3A_342 {strides = array<i32>} : memref<8x4096xf32, #tpu.memory_space<vmem>>, vector<16xf32>,
        %parallel_loop3A_349 = arith.constant 2 : i32
        %parallel_loop3A_350 = vector.broadcast %parallel_loop3A_349 : i32 to vector<16xi32>
        %parallel_loop3A_351 = tpu.vector_load_idx %arg6[%parallel_loop3A_350, %parallel_loop3A_330] : memref<4x4096xf32, #tpu.memory_space<vmem>>[vector<16xi32>, vector<16xi32>], vector<16xf32>,
        %parallel_loop3A_352 = arith.constant 16 : i32
        %parallel_loop3A_353 = arith.muli %parallel_loop3A_326, %parallel_loop3A_352 : i32
        %parallel_loop3A_354 = arith.constant 2 : i32
        %parallel_loop3A_355 = arith.index_cast %parallel_loop3A_354 : i32 to index
        %parallel_loop3A_356 = arith.index_cast %parallel_loop3A_353 : i32 to index
        %parallel_loop3A_357 = tpu.vector_load %arg8[%parallel_loop3A_355, %parallel_loop3A_356] {strides = array<i32>} : memref<8x4096xf32, #tpu.memory_space<vmem>>, vector<16xf32>,
        tpu.vector_store %arg8[%parallel_loop3A_355, %parallel_loop3A_356], %parallel_loop3A_351 {strides = array<i32>} : memref<8x4096xf32, #tpu.memory_space<vmem>>, vector<16xf32>,
        %parallel_loop3A_358 = arith.constant 3 : i32
        %parallel_loop3A_359 = vector.broadcast %parallel_loop3A_358 : i32 to vector<16xi32>
        %parallel_loop3A_360 = tpu.vector_load_idx %arg6[%parallel_loop3A_359, %parallel_loop3A_330] : memref<4x4096xf32, #tpu.memory_space<vmem>>[vector<16xi32>, vector<16xi32>], vector<16xf32>,
        %parallel_loop3A_361 = arith.constant 16 : i32
        %parallel_loop3A_362 = arith.muli %parallel_loop3A_326, %parallel_loop3A_361 : i32
        %parallel_loop3A_363 = arith.constant 3 : i32
        %parallel_loop3A_364 = arith.index_cast %parallel_loop3A_363 : i32 to index
        %parallel_loop3A_365 = arith.index_cast %parallel_loop3A_362 : i32 to index
        %parallel_loop3A_366 = tpu.vector_load %arg8[%parallel_loop3A_364, %parallel_loop3A_365] {strides = array<i32>} : memref<8x4096xf32, #tpu.memory_space<vmem>>, vector<16xf32>,
        tpu.vector_store %arg8[%parallel_loop3A_364, %parallel_loop3A_365], %parallel_loop3A_360 {strides = array<i32>} : memref<8x4096xf32, #tpu.memory_space<vmem>>, vector<16xf32>,
      } {sc.loop_unroll_factor = 8 : i64, sc.parallel_access}
      %add3A_96 = arith.constant 2 : i32
      %add3A_97 = arith.addi %add3A_51, %add3A_96 : i32
      %lt3A_98 = arith.constant 128 : i32
      %lt3A_99 = arith.cmpi slt, %add3A_97, %lt3A_98 : i32
      %convert_element_type3A_100 = arith.extui %lt3A_99 : i1 to i32
      %cond3A_101 = arith.constant 0 : i32
      %cond3A_102 = arith.cmpi ne, %convert_element_type3A_100, %cond3A_101 : i32
      scf.if %cond3A_102 {
        %add3A_326 = arith.constant 2 : i32
        %add3A_327 = arith.addi %add3A_51, %add3A_326 : i32
        %jit3A_328 = arith.constant 2 : i32
        %div3A_329 = arith.divsi %add3A_327, %jit3A_328 : i32
        %sign3A_330 = arith.constant 0 : i32
        %sign3A_331 = arith.cmpi sgt, %add3A_327, %sign3A_330 : i32
        %sign3A_332 = arith.extui %sign3A_331 : i1 to i32
        %sign3A_333 = arith.constant 0 : i32
        %sign3A_334 = arith.cmpi slt, %add3A_327, %sign3A_333 : i32
        %sign3A_335 = arith.extui %sign3A_334 : i1 to i32
        %sign3A_336 = arith.subi %sign3A_332, %sign3A_335 : i32
        %sign3A_337 = arith.constant 0 : i32
        %sign3A_338 = arith.cmpi sgt, %jit3A_328, %sign3A_337 : i32
        %sign3A_339 = arith.extui %sign3A_338 : i1 to i32
        %sign3A_340 = arith.constant 0 : i32
        %sign3A_341 = arith.cmpi slt, %jit3A_328, %sign3A_340 : i32
        %sign3A_342 = arith.extui %sign3A_341 : i1 to i32
        %sign3A_343 = arith.subi %sign3A_339, %sign3A_342 : i32
        %ne3A_344 = arith.cmpi ne, %sign3A_336, %sign3A_343 : i32
        %rem3A_345 = arith.remsi %add3A_327, %jit3A_328 : i32
        %ne3A_346 = arith.constant 0 : i32
        %ne3A_347 = arith.cmpi ne, %rem3A_345, %ne3A_346 : i32
        %and3A_348 = arith.andi %ne3A_344, %ne3A_347 : i1
        %sub3A_349 = arith.constant 1 : i32
        %sub3A_350 = arith.subi %div3A_329, %sub3A_349 : i32
        %select_n3A_351 = arith.select %and3A_348, %sub3A_350, %div3A_329 : i32
        %jit3A_352 = arith.constant 2 : i32
        %eq3A_353 = arith.constant 0 : i32
        %eq3A_354 = arith.cmpi eq, %jit3A_352, %eq3A_353 : i32
        %jit3A_355 = arith.constant 1 : i32
        %select_n3A_356 = arith.select %eq3A_354, %jit3A_355, %jit3A_352 : i32
        %rem3A_357 = arith.remsi %add3A_327, %select_n3A_356 : i32
        %ne3A_358 = arith.constant 0 : i32
        %ne3A_359 = arith.cmpi ne, %rem3A_357, %ne3A_358 : i32
        %lt3A_360 = arith.constant 0 : i32
        %lt3A_361 = arith.cmpi slt, %rem3A_357, %lt3A_360 : i32
        %lt3A_362 = arith.constant 0 : i32
        %lt3A_363 = arith.cmpi slt, %select_n3A_356, %lt3A_362 : i32
        %ne3A_364 = arith.xori %lt3A_361, %lt3A_363 : i1
        %and3A_365 = arith.andi %ne3A_364, %ne3A_359 : i1
        %add3A_366 = arith.addi %rem3A_357, %select_n3A_356 : i32
        %select_n3A_367 = arith.select %and3A_365, %add3A_366, %rem3A_357 : i32
        %mul3A_368 = arith.constant 32 : i32
        %mul3A_369 = arith.muli %select_n3A_351, %mul3A_368 : i32
        %add3A_370 = arith.addi %add3A, %mul3A_369 : i32
        %mul3A_371 = arith.constant 8 : i32
        %mul3A_372 = arith.muli %add3A_370, %mul3A_371 : i32
        %mul3A_373 = arith.constant 4 : i32
        %mul3A_374 = arith.muli %select_n3A_367, %mul3A_373 : i32
        %add3A_375 = arith.addi %mul3A_372, %mul3A_374 : i32
        %dma_start3A_376 = arith.constant 0 : i32
        %dma_start3A_377 = tpu.memref_slice %arg2[%add3A_375, %dma_start3A_376] : memref<16384x4096xf32, #tpu.memory_space<hbm>> -> memref<4x4096xf32, #tpu.memory_space<hbm>>
        %dma_start3A_378 = arith.constant 0 : i32
        %dma_start3A_379 = tpu.memref_slice %arg2[%add3A_375, %dma_start3A_378] : memref<16384x4096xf32, #tpu.memory_space<hbm>> -> memref<4x4096xf32, #tpu.memory_space<hbm>>
        tpu.enqueue_dma source(%dma_start3A_379 : memref<4x4096xf32, #tpu.memory_space<hbm>>) target(%arg6 : memref<4x4096xf32, #tpu.memory_space<vmem>>) target_semaphore(%arg10 : memref<!tpu.dma_semaphore, #tpu.memory_space<semaphore_mem>>)
      } else {
      }
      %mul3A_103 = arith.constant 2 : i32
      %mul3A_104 = arith.muli %mul3A_103, %add3A_45 : i32
      %add3A_105 = arith.constant 1 : i32
      %add3A_106 = arith.addi %mul3A_104, %add3A_105 : i32
      %jit3A_107 = arith.constant 2 : i32
      %div3A_108 = arith.divsi %add3A_106, %jit3A_107 : i32
      %sign3A_109 = arith.constant 0 : i32
      %sign3A_110 = arith.cmpi sgt, %add3A_106, %sign3A_109 : i32
      %sign3A_111 = arith.extui %sign3A_110 : i1 to i32
      %sign3A_112 = arith.constant 0 : i32
      %sign3A_113 = arith.cmpi slt, %add3A_106, %sign3A_112 : i32
      %sign3A_114 = arith.extui %sign3A_113 : i1 to i32
      %sign3A_115 = arith.subi %sign3A_111, %sign3A_114 : i32
      %sign3A_116 = arith.constant 0 : i32
      %sign3A_117 = arith.cmpi sgt, %jit3A_107, %sign3A_116 : i32
      %sign3A_118 = arith.extui %sign3A_117 : i1 to i32
      %sign3A_119 = arith.constant 0 : i32
      %sign3A_120 = arith.cmpi slt, %jit3A_107, %sign3A_119 : i32
      %sign3A_121 = arith.extui %sign3A_120 : i1 to i32
      %sign3A_122 = arith.subi %sign3A_118, %sign3A_121 : i32
      %ne3A_123 = arith.cmpi ne, %sign3A_115, %sign3A_122 : i32
      %rem3A_124 = arith.remsi %add3A_106, %jit3A_107 : i32
      %ne3A_125 = arith.constant 0 : i32
      %ne3A_126 = arith.cmpi ne, %rem3A_124, %ne3A_125 : i32
      %and3A_127 = arith.andi %ne3A_123, %ne3A_126 : i1
      %sub3A_128 = arith.constant 1 : i32
      %sub3A_129 = arith.subi %div3A_108, %sub3A_128 : i32
      %select_n3A_130 = arith.select %and3A_127, %sub3A_129, %div3A_108 : i32
      %jit3A_131 = arith.constant 2 : i32
      %eq3A_132 = arith.constant 0 : i32
      %eq3A_133 = arith.cmpi eq, %jit3A_131, %eq3A_132 : i32
      %jit3A_134 = arith.constant 1 : i32
      %select_n3A_135 = arith.select %eq3A_133, %jit3A_134, %jit3A_131 : i32
      %rem3A_136 = arith.remsi %add3A_106, %select_n3A_135 : i32
      %ne3A_137 = arith.constant 0 : i32
      %ne3A_138 = arith.cmpi ne, %rem3A_136, %ne3A_137 : i32
      %lt3A_139 = arith.constant 0 : i32
      %lt3A_140 = arith.cmpi slt, %rem3A_136, %lt3A_139 : i32
      %lt3A_141 = arith.constant 0 : i32
      %lt3A_142 = arith.cmpi slt, %select_n3A_135, %lt3A_141 : i32
      %ne3A_143 = arith.xori %lt3A_140, %lt3A_142 : i1
      %and3A_144 = arith.andi %ne3A_143, %ne3A_138 : i1
      %add3A_145 = arith.addi %rem3A_136, %select_n3A_135 : i32
      %select_n3A_146 = arith.select %and3A_144, %add3A_145, %rem3A_136 : i32
      %mul3A_147 = arith.constant 32 : i32
      %mul3A_148 = arith.muli %select_n3A_130, %mul3A_147 : i32
      %add3A_149 = arith.addi %add3A, %mul3A_148 : i32
      %mul3A_150 = arith.constant 8 : i32
      %mul3A_151 = arith.muli %add3A_149, %mul3A_150 : i32
      %mul3A_152 = arith.constant 4 : i32
      %mul3A_153 = arith.muli %select_n3A_146, %mul3A_152 : i32
      %add3A_154 = arith.addi %mul3A_151, %mul3A_153 : i32
      %dma_wait3A_155 = arith.constant 0 : i32
      %dma_wait3A_156 = tpu.memref_slice %arg2[%add3A_154, %dma_wait3A_155] : memref<16384x4096xf32, #tpu.memory_space<hbm>> -> memref<4x4096xf32, #tpu.memory_space<hbm>>
      %dma_wait3A_157 = arith.constant 0 : i32
      %dma_wait3A_158 = tpu.memref_slice %arg2[%add3A_154, %dma_wait3A_157] : memref<16384x4096xf32, #tpu.memory_space<hbm>> -> memref<4x4096xf32, #tpu.memory_space<hbm>>
      tpu.wait_dma2 semaphore(%arg11 : memref<!tpu.dma_semaphore, #tpu.memory_space<semaphore_mem>>) src(%dma_wait3A_158 : memref<4x4096xf32, #tpu.memory_space<hbm>>) dst(%arg7 : memref<4x4096xf32, #tpu.memory_space<vmem>>)
      %parallel_loop3A_159 = arith.constant 0 : i32
      %parallel_loop3A_160 = arith.constant 256 : i32
      %parallel_loop3A_161 = arith.constant 1 : i32
      scf.for %parallel_loop3A_326 = %parallel_loop3A_159 to %parallel_loop3A_160 step %parallel_loop3A_161  : i32 {
        %parallel_loop3A_327 = arith.constant 16 : i32
        %parallel_loop3A_328 = arith.muli %parallel_loop3A_326, %parallel_loop3A_327 : i32
        %parallel_loop3A_329 = arith.index_cast %parallel_loop3A_328 : i32 to index
        %parallel_loop3A_330 = tpu.vector_load %arg5[%parallel_loop3A_329] {strides = array<i32>} : memref<4096xi32, #tpu.memory_space<vmem>>, vector<16xi32>,
        %parallel_loop3A_331 = arith.constant 0 : i32
        %parallel_loop3A_332 = vector.broadcast %parallel_loop3A_331 : i32 to vector<16xi32>
        %parallel_loop3A_333 = tpu.vector_load_idx %arg7[%parallel_loop3A_332, %parallel_loop3A_330] : memref<4x4096xf32, #tpu.memory_space<vmem>>[vector<16xi32>, vector<16xi32>], vector<16xf32>,
        %parallel_loop3A_334 = arith.constant 16 : i32
        %parallel_loop3A_335 = arith.muli %parallel_loop3A_326, %parallel_loop3A_334 : i32
        %parallel_loop3A_336 = arith.constant 4 : i32
        %parallel_loop3A_337 = arith.index_cast %parallel_loop3A_336 : i32 to index
        %parallel_loop3A_338 = arith.index_cast %parallel_loop3A_335 : i32 to index
        %parallel_loop3A_339 = tpu.vector_load %arg8[%parallel_loop3A_337, %parallel_loop3A_338] {strides = array<i32>} : memref<8x4096xf32, #tpu.memory_space<vmem>>, vector<16xf32>,
        tpu.vector_store %arg8[%parallel_loop3A_337, %parallel_loop3A_338], %parallel_loop3A_333 {strides = array<i32>} : memref<8x4096xf32, #tpu.memory_space<vmem>>, vector<16xf32>,
        %parallel_loop3A_340 = arith.constant 1 : i32
        %parallel_loop3A_341 = vector.broadcast %parallel_loop3A_340 : i32 to vector<16xi32>
        %parallel_loop3A_342 = tpu.vector_load_idx %arg7[%parallel_loop3A_341, %parallel_loop3A_330] : memref<4x4096xf32, #tpu.memory_space<vmem>>[vector<16xi32>, vector<16xi32>], vector<16xf32>,
        %parallel_loop3A_343 = arith.constant 16 : i32
        %parallel_loop3A_344 = arith.muli %parallel_loop3A_326, %parallel_loop3A_343 : i32
        %parallel_loop3A_345 = arith.constant 5 : i32
        %parallel_loop3A_346 = arith.index_cast %parallel_loop3A_345 : i32 to index
        %parallel_loop3A_347 = arith.index_cast %parallel_loop3A_344 : i32 to index
        %parallel_loop3A_348 = tpu.vector_load %arg8[%parallel_loop3A_346, %parallel_loop3A_347] {strides = array<i32>} : memref<8x4096xf32, #tpu.memory_space<vmem>>, vector<16xf32>,
        tpu.vector_store %arg8[%parallel_loop3A_346, %parallel_loop3A_347], %parallel_loop3A_342 {strides = array<i32>} : memref<8x4096xf32, #tpu.memory_space<vmem>>, vector<16xf32>,
        %parallel_loop3A_349 = arith.constant 2 : i32
        %parallel_loop3A_350 = vector.broadcast %parallel_loop3A_349 : i32 to vector<16xi32>
        %parallel_loop3A_351 = tpu.vector_load_idx %arg7[%parallel_loop3A_350, %parallel_loop3A_330] : memref<4x4096xf32, #tpu.memory_space<vmem>>[vector<16xi32>, vector<16xi32>], vector<16xf32>,
        %parallel_loop3A_352 = arith.constant 16 : i32
        %parallel_loop3A_353 = arith.muli %parallel_loop3A_326, %parallel_loop3A_352 : i32
        %parallel_loop3A_354 = arith.constant 6 : i32
        %parallel_loop3A_355 = arith.index_cast %parallel_loop3A_354 : i32 to index
        %parallel_loop3A_356 = arith.index_cast %parallel_loop3A_353 : i32 to index
        %parallel_loop3A_357 = tpu.vector_load %arg8[%parallel_loop3A_355, %parallel_loop3A_356] {strides = array<i32>} : memref<8x4096xf32, #tpu.memory_space<vmem>>, vector<16xf32>,
        tpu.vector_store %arg8[%parallel_loop3A_355, %parallel_loop3A_356], %parallel_loop3A_351 {strides = array<i32>} : memref<8x4096xf32, #tpu.memory_space<vmem>>, vector<16xf32>,
        %parallel_loop3A_358 = arith.constant 3 : i32
        %parallel_loop3A_359 = vector.broadcast %parallel_loop3A_358 : i32 to vector<16xi32>
        %parallel_loop3A_360 = tpu.vector_load_idx %arg7[%parallel_loop3A_359, %parallel_loop3A_330] : memref<4x4096xf32, #tpu.memory_space<vmem>>[vector<16xi32>, vector<16xi32>], vector<16xf32>,
        %parallel_loop3A_361 = arith.constant 16 : i32
        %parallel_loop3A_362 = arith.muli %parallel_loop3A_326, %parallel_loop3A_361 : i32
        %parallel_loop3A_363 = arith.constant 7 : i32
        %parallel_loop3A_364 = arith.index_cast %parallel_loop3A_363 : i32 to index
        %parallel_loop3A_365 = arith.index_cast %parallel_loop3A_362 : i32 to index
        %parallel_loop3A_366 = tpu.vector_load %arg8[%parallel_loop3A_364, %parallel_loop3A_365] {strides = array<i32>} : memref<8x4096xf32, #tpu.memory_space<vmem>>, vector<16xf32>,
        tpu.vector_store %arg8[%parallel_loop3A_364, %parallel_loop3A_365], %parallel_loop3A_360 {strides = array<i32>} : memref<8x4096xf32, #tpu.memory_space<vmem>>, vector<16xf32>,
      } {sc.loop_unroll_factor = 8 : i64, sc.parallel_access}
      %add3A_162 = arith.constant 2 : i32
      %add3A_163 = arith.addi %add3A_106, %add3A_162 : i32
      %lt3A_164 = arith.constant 128 : i32
      %lt3A_165 = arith.cmpi slt, %add3A_163, %lt3A_164 : i32
      %convert_element_type3A_166 = arith.extui %lt3A_165 : i1 to i32
      %cond3A_167 = arith.constant 0 : i32
      %cond3A_168 = arith.cmpi ne, %convert_element_type3A_166, %cond3A_167 : i32
      scf.if %cond3A_168 {
        %add3A_326 = arith.constant 2 : i32
        %add3A_327 = arith.addi %add3A_106, %add3A_326 : i32
        %jit3A_328 = arith.constant 2 : i32
        %div3A_329 = arith.divsi %add3A_327, %jit3A_328 : i32
        %sign3A_330 = arith.constant 0 : i32
        %sign3A_331 = arith.cmpi sgt, %add3A_327, %sign3A_330 : i32
        %sign3A_332 = arith.extui %sign3A_331 : i1 to i32
        %sign3A_333 = arith.constant 0 : i32
        %sign3A_334 = arith.cmpi slt, %add3A_327, %sign3A_333 : i32
        %sign3A_335 = arith.extui %sign3A_334 : i1 to i32
        %sign3A_336 = arith.subi %sign3A_332, %sign3A_335 : i32
        %sign3A_337 = arith.constant 0 : i32
        %sign3A_338 = arith.cmpi sgt, %jit3A_328, %sign3A_337 : i32
        %sign3A_339 = arith.extui %sign3A_338 : i1 to i32
        %sign3A_340 = arith.constant 0 : i32
        %sign3A_341 = arith.cmpi slt, %jit3A_328, %sign3A_340 : i32
        %sign3A_342 = arith.extui %sign3A_341 : i1 to i32
        %sign3A_343 = arith.subi %sign3A_339, %sign3A_342 : i32
        %ne3A_344 = arith.cmpi ne, %sign3A_336, %sign3A_343 : i32
        %rem3A_345 = arith.remsi %add3A_327, %jit3A_328 : i32
        %ne3A_346 = arith.constant 0 : i32
        %ne3A_347 = arith.cmpi ne, %rem3A_345, %ne3A_346 : i32
        %and3A_348 = arith.andi %ne3A_344, %ne3A_347 : i1
        %sub3A_349 = arith.constant 1 : i32
        %sub3A_350 = arith.subi %div3A_329, %sub3A_349 : i32
        %select_n3A_351 = arith.select %and3A_348, %sub3A_350, %div3A_329 : i32
        %jit3A_352 = arith.constant 2 : i32
        %eq3A_353 = arith.constant 0 : i32
        %eq3A_354 = arith.cmpi eq, %jit3A_352, %eq3A_353 : i32
        %jit3A_355 = arith.constant 1 : i32
        %select_n3A_356 = arith.select %eq3A_354, %jit3A_355, %jit3A_352 : i32
        %rem3A_357 = arith.remsi %add3A_327, %select_n3A_356 : i32
        %ne3A_358 = arith.constant 0 : i32
        %ne3A_359 = arith.cmpi ne, %rem3A_357, %ne3A_358 : i32
        %lt3A_360 = arith.constant 0 : i32
        %lt3A_361 = arith.cmpi slt, %rem3A_357, %lt3A_360 : i32
        %lt3A_362 = arith.constant 0 : i32
        %lt3A_363 = arith.cmpi slt, %select_n3A_356, %lt3A_362 : i32
        %ne3A_364 = arith.xori %lt3A_361, %lt3A_363 : i1
        %and3A_365 = arith.andi %ne3A_364, %ne3A_359 : i1
        %add3A_366 = arith.addi %rem3A_357, %select_n3A_356 : i32
        %select_n3A_367 = arith.select %and3A_365, %add3A_366, %rem3A_357 : i32
        %mul3A_368 = arith.constant 32 : i32
        %mul3A_369 = arith.muli %select_n3A_351, %mul3A_368 : i32
        %add3A_370 = arith.addi %add3A, %mul3A_369 : i32
        %mul3A_371 = arith.constant 8 : i32
        %mul3A_372 = arith.muli %add3A_370, %mul3A_371 : i32
        %mul3A_373 = arith.constant 4 : i32
        %mul3A_374 = arith.muli %select_n3A_367, %mul3A_373 : i32
        %add3A_375 = arith.addi %mul3A_372, %mul3A_374 : i32
        %dma_start3A_376 = arith.constant 0 : i32
        %dma_start3A_377 = tpu.memref_slice %arg2[%add3A_375, %dma_start3A_376] : memref<16384x4096xf32, #tpu.memory_space<hbm>> -> memref<4x4096xf32, #tpu.memory_space<hbm>>
        %dma_start3A_378 = arith.constant 0 : i32
        %dma_start3A_379 = tpu.memref_slice %arg2[%add3A_375, %dma_start3A_378] : memref<16384x4096xf32, #tpu.memory_space<hbm>> -> memref<4x4096xf32, #tpu.memory_space<hbm>>
        tpu.enqueue_dma source(%dma_start3A_379 : memref<4x4096xf32, #tpu.memory_space<hbm>>) target(%arg7 : memref<4x4096xf32, #tpu.memory_space<vmem>>) target_semaphore(%arg11 : memref<!tpu.dma_semaphore, #tpu.memory_space<semaphore_mem>>)
      } else {
      }
      %mul3A_169 = arith.constant 32 : i32
      %mul3A_170 = arith.muli %add3A_45, %mul3A_169 : i32
      %add3A_171 = arith.addi %add3A, %mul3A_170 : i32
      %mul3A_172 = arith.constant 8 : i32
      %mul3A_173 = arith.muli %add3A_171, %mul3A_172 : i32
      %dma_start3A_174 = arith.constant 0 : i32
      %dma_start3A_175 = tpu.memref_slice %arg4[%mul3A_173, %dma_start3A_174] : memref<16384x4096xf32, #tpu.memory_space<hbm>> -> memref<8x4096xf32, #tpu.memory_space<hbm>>
      %dma_start3A_176 = arith.constant 0 : i32
      %dma_start3A_177 = tpu.memref_slice %arg4[%mul3A_173, %dma_start3A_176] : memref<16384x4096xf32, #tpu.memory_space<hbm>> -> memref<8x4096xf32, #tpu.memory_space<hbm>>
      tpu.enqueue_dma source(%arg8 : memref<8x4096xf32, #tpu.memory_space<vmem>>) target(%dma_start3A_177 : memref<8x4096xf32, #tpu.memory_space<hbm>>) target_semaphore(%arg12 : memref<!tpu.dma_semaphore, #tpu.memory_space<semaphore_mem>>)
      %add3A_178 = arith.constant 1 : i32
      %add3A_179 = arith.addi %add3A_43, %add3A_178 : i32
      %ge3A_180 = arith.constant 2 : i32
      %ge3A_181 = arith.cmpi sge, %add3A_179, %ge3A_180 : i32
      %convert_element_type3A_182 = arith.extui %ge3A_181 : i1 to i32
      %cond3A_183 = arith.constant 0 : i32
      %cond3A_184 = arith.cmpi ne, %convert_element_type3A_182, %cond3A_183 : i32
      scf.if %cond3A_184 {
        %mul3A_326 = arith.constant 32 : i32
        %mul3A_327 = arith.muli %add3A_179, %mul3A_326 : i32
        %add3A_328 = arith.addi %add3A, %mul3A_327 : i32
        %mul3A_329 = arith.constant 8 : i32
        %mul3A_330 = arith.muli %add3A_328, %mul3A_329 : i32
        %dma_wait3A_331 = arith.constant 0 : i32
        %dma_wait3A_332 = tpu.memref_slice %arg4[%mul3A_330, %dma_wait3A_331] : memref<16384x4096xf32, #tpu.memory_space<hbm>> -> memref<8x4096xf32, #tpu.memory_space<hbm>>
        %dma_wait3A_333 = arith.constant 0 : i32
        %dma_wait3A_334 = tpu.memref_slice %arg4[%mul3A_330, %dma_wait3A_333] : memref<16384x4096xf32, #tpu.memory_space<hbm>> -> memref<8x4096xf32, #tpu.memory_space<hbm>>
        tpu.wait_dma2 semaphore(%arg13 : memref<!tpu.dma_semaphore, #tpu.memory_space<semaphore_mem>>) src(%arg9 : memref<8x4096xf32, #tpu.memory_space<vmem>>) dst(%dma_wait3A_334 : memref<8x4096xf32, #tpu.memory_space<hbm>>)
      } else {
      }
      %mul3A_185 = arith.constant 2 : i32
      %mul3A_186 = arith.muli %mul3A_185, %add3A_179 : i32
      %add3A_187 = arith.constant 0 : i32
      %add3A_188 = arith.addi %mul3A_186, %add3A_187 : i32
      %jit3A_189 = arith.constant 2 : i32
      %div3A_190 = arith.divsi %add3A_188, %jit3A_189 : i32
      %sign3A_191 = arith.constant 0 : i32
      %sign3A_192 = arith.cmpi sgt, %add3A_188, %sign3A_191 : i32
      %sign3A_193 = arith.extui %sign3A_192 : i1 to i32
      %sign3A_194 = arith.constant 0 : i32
      %sign3A_195 = arith.cmpi slt, %add3A_188, %sign3A_194 : i32
      %sign3A_196 = arith.extui %sign3A_195 : i1 to i32
      %sign3A_197 = arith.subi %sign3A_193, %sign3A_196 : i32
      %sign3A_198 = arith.constant 0 : i32
      %sign3A_199 = arith.cmpi sgt, %jit3A_189, %sign3A_198 : i32
      %sign3A_200 = arith.extui %sign3A_199 : i1 to i32
      %sign3A_201 = arith.constant 0 : i32
      %sign3A_202 = arith.cmpi slt, %jit3A_189, %sign3A_201 : i32
      %sign3A_203 = arith.extui %sign3A_202 : i1 to i32
      %sign3A_204 = arith.subi %sign3A_200, %sign3A_203 : i32
      %ne3A_205 = arith.cmpi ne, %sign3A_197, %sign3A_204 : i32
      %rem3A_206 = arith.remsi %add3A_188, %jit3A_189 : i32
      %ne3A_207 = arith.constant 0 : i32
      %ne3A_208 = arith.cmpi ne, %rem3A_206, %ne3A_207 : i32
      %and3A_209 = arith.andi %ne3A_205, %ne3A_208 : i1
      %sub3A_210 = arith.constant 1 : i32
      %sub3A_211 = arith.subi %div3A_190, %sub3A_210 : i32
      %select_n3A_212 = arith.select %and3A_209, %sub3A_211, %div3A_190 : i32
      %jit3A_213 = arith.constant 2 : i32
      %eq3A_214 = arith.constant 0 : i32
      %eq3A_215 = arith.cmpi eq, %jit3A_213, %eq3A_214 : i32
      %jit3A_216 = arith.constant 1 : i32
      %select_n3A_217 = arith.select %eq3A_215, %jit3A_216, %jit3A_213 : i32
      %rem3A_218 = arith.remsi %add3A_188, %select_n3A_217 : i32
      %ne3A_219 = arith.constant 0 : i32
      %ne3A_220 = arith.cmpi ne, %rem3A_218, %ne3A_219 : i32
      %lt3A_221 = arith.constant 0 : i32
      %lt3A_222 = arith.cmpi slt, %rem3A_218, %lt3A_221 : i32
      %lt3A_223 = arith.constant 0 : i32
      %lt3A_224 = arith.cmpi slt, %select_n3A_217, %lt3A_223 : i32
      %ne3A_225 = arith.xori %lt3A_222, %lt3A_224 : i1
      %and3A_226 = arith.andi %ne3A_225, %ne3A_220 : i1
      %add3A_227 = arith.addi %rem3A_218, %select_n3A_217 : i32
      %select_n3A_228 = arith.select %and3A_226, %add3A_227, %rem3A_218 : i32
      %mul3A_229 = arith.constant 32 : i32
      %mul3A_230 = arith.muli %select_n3A_212, %mul3A_229 : i32
      %add3A_231 = arith.addi %add3A, %mul3A_230 : i32
      %mul3A_232 = arith.constant 8 : i32
      %mul3A_233 = arith.muli %add3A_231, %mul3A_232 : i32
      %mul3A_234 = arith.constant 4 : i32
      %mul3A_235 = arith.muli %select_n3A_228, %mul3A_234 : i32
      %add3A_236 = arith.addi %mul3A_233, %mul3A_235 : i32
      %dma_wait3A_237 = arith.constant 0 : i32
      %dma_wait3A_238 = tpu.memref_slice %arg2[%add3A_236, %dma_wait3A_237] : memref<16384x4096xf32, #tpu.memory_space<hbm>> -> memref<4x4096xf32, #tpu.memory_space<hbm>>
      %dma_wait3A_239 = arith.constant 0 : i32
      %dma_wait3A_240 = tpu.memref_slice %arg2[%add3A_236, %dma_wait3A_239] : memref<16384x4096xf32, #tpu.memory_space<hbm>> -> memref<4x4096xf32, #tpu.memory_space<hbm>>
      tpu.wait_dma2 semaphore(%arg10 : memref<!tpu.dma_semaphore, #tpu.memory_space<semaphore_mem>>) src(%dma_wait3A_240 : memref<4x4096xf32, #tpu.memory_space<hbm>>) dst(%arg6 : memref<4x4096xf32, #tpu.memory_space<vmem>>)
      %parallel_loop3A_241 = arith.constant 0 : i32
      %parallel_loop3A_242 = arith.constant 256 : i32
      %parallel_loop3A_243 = arith.constant 1 : i32
      scf.for %parallel_loop3A_326 = %parallel_loop3A_241 to %parallel_loop3A_242 step %parallel_loop3A_243  : i32 {
        %parallel_loop3A_327 = arith.constant 16 : i32
        %parallel_loop3A_328 = arith.muli %parallel_loop3A_326, %parallel_loop3A_327 : i32
        %parallel_loop3A_329 = arith.index_cast %parallel_loop3A_328 : i32 to index
        %parallel_loop3A_330 = tpu.vector_load %arg5[%parallel_loop3A_329] {strides = array<i32>} : memref<4096xi32, #tpu.memory_space<vmem>>, vector<16xi32>,
        %parallel_loop3A_331 = arith.constant 0 : i32
        %parallel_loop3A_332 = vector.broadcast %parallel_loop3A_331 : i32 to vector<16xi32>
        %parallel_loop3A_333 = tpu.vector_load_idx %arg6[%parallel_loop3A_332, %parallel_loop3A_330] : memref<4x4096xf32, #tpu.memory_space<vmem>>[vector<16xi32>, vector<16xi32>], vector<16xf32>,
        %parallel_loop3A_334 = arith.constant 16 : i32
        %parallel_loop3A_335 = arith.muli %parallel_loop3A_326, %parallel_loop3A_334 : i32
        %parallel_loop3A_336 = arith.constant 0 : i32
        %parallel_loop3A_337 = arith.index_cast %parallel_loop3A_336 : i32 to index
        %parallel_loop3A_338 = arith.index_cast %parallel_loop3A_335 : i32 to index
        %parallel_loop3A_339 = tpu.vector_load %arg9[%parallel_loop3A_337, %parallel_loop3A_338] {strides = array<i32>} : memref<8x4096xf32, #tpu.memory_space<vmem>>, vector<16xf32>,
        tpu.vector_store %arg9[%parallel_loop3A_337, %parallel_loop3A_338], %parallel_loop3A_333 {strides = array<i32>} : memref<8x4096xf32, #tpu.memory_space<vmem>>, vector<16xf32>,
        %parallel_loop3A_340 = arith.constant 1 : i32
        %parallel_loop3A_341 = vector.broadcast %parallel_loop3A_340 : i32 to vector<16xi32>
        %parallel_loop3A_342 = tpu.vector_load_idx %arg6[%parallel_loop3A_341, %parallel_loop3A_330] : memref<4x4096xf32, #tpu.memory_space<vmem>>[vector<16xi32>, vector<16xi32>], vector<16xf32>,
        %parallel_loop3A_343 = arith.constant 16 : i32
        %parallel_loop3A_344 = arith.muli %parallel_loop3A_326, %parallel_loop3A_343 : i32
        %parallel_loop3A_345 = arith.constant 1 : i32
        %parallel_loop3A_346 = arith.index_cast %parallel_loop3A_345 : i32 to index
        %parallel_loop3A_347 = arith.index_cast %parallel_loop3A_344 : i32 to index
        %parallel_loop3A_348 = tpu.vector_load %arg9[%parallel_loop3A_346, %parallel_loop3A_347] {strides = array<i32>} : memref<8x4096xf32, #tpu.memory_space<vmem>>, vector<16xf32>,
        tpu.vector_store %arg9[%parallel_loop3A_346, %parallel_loop3A_347], %parallel_loop3A_342 {strides = array<i32>} : memref<8x4096xf32, #tpu.memory_space<vmem>>, vector<16xf32>,
        %parallel_loop3A_349 = arith.constant 2 : i32
        %parallel_loop3A_350 = vector.broadcast %parallel_loop3A_349 : i32 to vector<16xi32>
        %parallel_loop3A_351 = tpu.vector_load_idx %arg6[%parallel_loop3A_350, %parallel_loop3A_330] : memref<4x4096xf32, #tpu.memory_space<vmem>>[vector<16xi32>, vector<16xi32>], vector<16xf32>,
        %parallel_loop3A_352 = arith.constant 16 : i32
        %parallel_loop3A_353 = arith.muli %parallel_loop3A_326, %parallel_loop3A_352 : i32
        %parallel_loop3A_354 = arith.constant 2 : i32
        %parallel_loop3A_355 = arith.index_cast %parallel_loop3A_354 : i32 to index
        %parallel_loop3A_356 = arith.index_cast %parallel_loop3A_353 : i32 to index
        %parallel_loop3A_357 = tpu.vector_load %arg9[%parallel_loop3A_355, %parallel_loop3A_356] {strides = array<i32>} : memref<8x4096xf32, #tpu.memory_space<vmem>>, vector<16xf32>,
        tpu.vector_store %arg9[%parallel_loop3A_355, %parallel_loop3A_356], %parallel_loop3A_351 {strides = array<i32>} : memref<8x4096xf32, #tpu.memory_space<vmem>>, vector<16xf32>,
        %parallel_loop3A_358 = arith.constant 3 : i32
        %parallel_loop3A_359 = vector.broadcast %parallel_loop3A_358 : i32 to vector<16xi32>
        %parallel_loop3A_360 = tpu.vector_load_idx %arg6[%parallel_loop3A_359, %parallel_loop3A_330] : memref<4x4096xf32, #tpu.memory_space<vmem>>[vector<16xi32>, vector<16xi32>], vector<16xf32>,
        %parallel_loop3A_361 = arith.constant 16 : i32
        %parallel_loop3A_362 = arith.muli %parallel_loop3A_326, %parallel_loop3A_361 : i32
        %parallel_loop3A_363 = arith.constant 3 : i32
        %parallel_loop3A_364 = arith.index_cast %parallel_loop3A_363 : i32 to index
        %parallel_loop3A_365 = arith.index_cast %parallel_loop3A_362 : i32 to index
        %parallel_loop3A_366 = tpu.vector_load %arg9[%parallel_loop3A_364, %parallel_loop3A_365] {strides = array<i32>} : memref<8x4096xf32, #tpu.memory_space<vmem>>, vector<16xf32>,
        tpu.vector_store %arg9[%parallel_loop3A_364, %parallel_loop3A_365], %parallel_loop3A_360 {strides = array<i32>} : memref<8x4096xf32, #tpu.memory_space<vmem>>, vector<16xf32>,
      } {sc.loop_unroll_factor = 8 : i64, sc.parallel_access}
      %add3A_244 = arith.constant 2 : i32
      %add3A_245 = arith.addi %add3A_188, %add3A_244 : i32
      %lt3A_246 = arith.constant 128 : i32
      %lt3A_247 = arith.cmpi slt, %add3A_245, %lt3A_246 : i32
      %convert_element_type3A_248 = arith.extui %lt3A_247 : i1 to i32
      %cond3A_249 = arith.constant 0 : i32
      %cond3A_250 = arith.cmpi ne, %convert_element_type3A_248, %cond3A_249 : i32
      scf.if %cond3A_250 {
        %add3A_326 = arith.constant 2 : i32
        %add3A_327 = arith.addi %add3A_188, %add3A_326 : i32
        %jit3A_328 = arith.constant 2 : i32
        %div3A_329 = arith.divsi %add3A_327, %jit3A_328 : i32
        %sign3A_330 = arith.constant 0 : i32
        %sign3A_331 = arith.cmpi sgt, %add3A_327, %sign3A_330 : i32
        %sign3A_332 = arith.extui %sign3A_331 : i1 to i32
        %sign3A_333 = arith.constant 0 : i32
        %sign3A_334 = arith.cmpi slt, %add3A_327, %sign3A_333 : i32
        %sign3A_335 = arith.extui %sign3A_334 : i1 to i32
        %sign3A_336 = arith.subi %sign3A_332, %sign3A_335 : i32
        %sign3A_337 = arith.constant 0 : i32
        %sign3A_338 = arith.cmpi sgt, %jit3A_328, %sign3A_337 : i32
        %sign3A_339 = arith.extui %sign3A_338 : i1 to i32
        %sign3A_340 = arith.constant 0 : i32
        %sign3A_341 = arith.cmpi slt, %jit3A_328, %sign3A_340 : i32
        %sign3A_342 = arith.extui %sign3A_341 : i1 to i32
        %sign3A_343 = arith.subi %sign3A_339, %sign3A_342 : i32
        %ne3A_344 = arith.cmpi ne, %sign3A_336, %sign3A_343 : i32
        %rem3A_345 = arith.remsi %add3A_327, %jit3A_328 : i32
        %ne3A_346 = arith.constant 0 : i32
        %ne3A_347 = arith.cmpi ne, %rem3A_345, %ne3A_346 : i32
        %and3A_348 = arith.andi %ne3A_344, %ne3A_347 : i1
        %sub3A_349 = arith.constant 1 : i32
        %sub3A_350 = arith.subi %div3A_329, %sub3A_349 : i32
        %select_n3A_351 = arith.select %and3A_348, %sub3A_350, %div3A_329 : i32
        %jit3A_352 = arith.constant 2 : i32
        %eq3A_353 = arith.constant 0 : i32
        %eq3A_354 = arith.cmpi eq, %jit3A_352, %eq3A_353 : i32
        %jit3A_355 = arith.constant 1 : i32
        %select_n3A_356 = arith.select %eq3A_354, %jit3A_355, %jit3A_352 : i32
        %rem3A_357 = arith.remsi %add3A_327, %select_n3A_356 : i32
        %ne3A_358 = arith.constant 0 : i32
        %ne3A_359 = arith.cmpi ne, %rem3A_357, %ne3A_358 : i32
        %lt3A_360 = arith.constant 0 : i32
        %lt3A_361 = arith.cmpi slt, %rem3A_357, %lt3A_360 : i32
        %lt3A_362 = arith.constant 0 : i32
        %lt3A_363 = arith.cmpi slt, %select_n3A_356, %lt3A_362 : i32
        %ne3A_364 = arith.xori %lt3A_361, %lt3A_363 : i1
        %and3A_365 = arith.andi %ne3A_364, %ne3A_359 : i1
        %add3A_366 = arith.addi %rem3A_357, %select_n3A_356 : i32
        %select_n3A_367 = arith.select %and3A_365, %add3A_366, %rem3A_357 : i32
        %mul3A_368 = arith.constant 32 : i32
        %mul3A_369 = arith.muli %select_n3A_351, %mul3A_368 : i32
        %add3A_370 = arith.addi %add3A, %mul3A_369 : i32
        %mul3A_371 = arith.constant 8 : i32
        %mul3A_372 = arith.muli %add3A_370, %mul3A_371 : i32
        %mul3A_373 = arith.constant 4 : i32
        %mul3A_374 = arith.muli %select_n3A_367, %mul3A_373 : i32
        %add3A_375 = arith.addi %mul3A_372, %mul3A_374 : i32
        %dma_start3A_376 = arith.constant 0 : i32
        %dma_start3A_377 = tpu.memref_slice %arg2[%add3A_375, %dma_start3A_376] : memref<16384x4096xf32, #tpu.memory_space<hbm>> -> memref<4x4096xf32, #tpu.memory_space<hbm>>
        %dma_start3A_378 = arith.constant 0 : i32
        %dma_start3A_379 = tpu.memref_slice %arg2[%add3A_375, %dma_start3A_378] : memref<16384x4096xf32, #tpu.memory_space<hbm>> -> memref<4x4096xf32, #tpu.memory_space<hbm>>
        tpu.enqueue_dma source(%dma_start3A_379 : memref<4x4096xf32, #tpu.memory_space<hbm>>) target(%arg6 : memref<4x4096xf32, #tpu.memory_space<vmem>>) target_semaphore(%arg10 : memref<!tpu.dma_semaphore, #tpu.memory_space<semaphore_mem>>)
      } else {
      }
      %mul3A_251 = arith.constant 2 : i32
      %mul3A_252 = arith.muli %mul3A_251, %add3A_179 : i32
      %add3A_253 = arith.constant 1 : i32
      %add3A_254 = arith.addi %mul3A_252, %add3A_253 : i32
      %jit3A_255 = arith.constant 2 : i32
      %div3A_256 = arith.divsi %add3A_254, %jit3A_255 : i32
      %sign3A_257 = arith.constant 0 : i32
      %sign3A_258 = arith.cmpi sgt, %add3A_254, %sign3A_257 : i32
      %sign3A_259 = arith.extui %sign3A_258 : i1 to i32
      %sign3A_260 = arith.constant 0 : i32
      %sign3A_261 = arith.cmpi slt, %add3A_254, %sign3A_260 : i32
      %sign3A_262 = arith.extui %sign3A_261 : i1 to i32
      %sign3A_263 = arith.subi %sign3A_259, %sign3A_262 : i32
      %sign3A_264 = arith.constant 0 : i32
      %sign3A_265 = arith.cmpi sgt, %jit3A_255, %sign3A_264 : i32
      %sign3A_266 = arith.extui %sign3A_265 : i1 to i32
      %sign3A_267 = arith.constant 0 : i32
      %sign3A_268 = arith.cmpi slt, %jit3A_255, %sign3A_267 : i32
      %sign3A_269 = arith.extui %sign3A_268 : i1 to i32
      %sign3A_270 = arith.subi %sign3A_266, %sign3A_269 : i32
      %ne3A_271 = arith.cmpi ne, %sign3A_263, %sign3A_270 : i32
      %rem3A_272 = arith.remsi %add3A_254, %jit3A_255 : i32
      %ne3A_273 = arith.constant 0 : i32
      %ne3A_274 = arith.cmpi ne, %rem3A_272, %ne3A_273 : i32
      %and3A_275 = arith.andi %ne3A_271, %ne3A_274 : i1
      %sub3A_276 = arith.constant 1 : i32
      %sub3A_277 = arith.subi %div3A_256, %sub3A_276 : i32
      %select_n3A_278 = arith.select %and3A_275, %sub3A_277, %div3A_256 : i32
      %jit3A_279 = arith.constant 2 : i32
      %eq3A_280 = arith.constant 0 : i32
      %eq3A_281 = arith.cmpi eq, %jit3A_279, %eq3A_280 : i32
      %jit3A_282 = arith.constant 1 : i32
      %select_n3A_283 = arith.select %eq3A_281, %jit3A_282, %jit3A_279 : i32
      %rem3A_284 = arith.remsi %add3A_254, %select_n3A_283 : i32
      %ne3A_285 = arith.constant 0 : i32
      %ne3A_286 = arith.cmpi ne, %rem3A_284, %ne3A_285 : i32
      %lt3A_287 = arith.constant 0 : i32
      %lt3A_288 = arith.cmpi slt, %rem3A_284, %lt3A_287 : i32
      %lt3A_289 = arith.constant 0 : i32
      %lt3A_290 = arith.cmpi slt, %select_n3A_283, %lt3A_289 : i32
      %ne3A_291 = arith.xori %lt3A_288, %lt3A_290 : i1
      %and3A_292 = arith.andi %ne3A_291, %ne3A_286 : i1
      %add3A_293 = arith.addi %rem3A_284, %select_n3A_283 : i32
      %select_n3A_294 = arith.select %and3A_292, %add3A_293, %rem3A_284 : i32
      %mul3A_295 = arith.constant 32 : i32
      %mul3A_296 = arith.muli %select_n3A_278, %mul3A_295 : i32
      %add3A_297 = arith.addi %add3A, %mul3A_296 : i32
      %mul3A_298 = arith.constant 8 : i32
      %mul3A_299 = arith.muli %add3A_297, %mul3A_298 : i32
      %mul3A_300 = arith.constant 4 : i32
      %mul3A_301 = arith.muli %select_n3A_294, %mul3A_300 : i32
      %add3A_302 = arith.addi %mul3A_299, %mul3A_301 : i32
      %dma_wait3A_303 = arith.constant 0 : i32
      %dma_wait3A_304 = tpu.memref_slice %arg2[%add3A_302, %dma_wait3A_303] : memref<16384x4096xf32, #tpu.memory_space<hbm>> -> memref<4x4096xf32, #tpu.memory_space<hbm>>
      %dma_wait3A_305 = arith.constant 0 : i32
      %dma_wait3A_306 = tpu.memref_slice %arg2[%add3A_302, %dma_wait3A_305] : memref<16384x4096xf32, #tpu.memory_space<hbm>> -> memref<4x4096xf32, #tpu.memory_space<hbm>>
      tpu.wait_dma2 semaphore(%arg11 : memref<!tpu.dma_semaphore, #tpu.memory_space<semaphore_mem>>) src(%dma_wait3A_306 : memref<4x4096xf32, #tpu.memory_space<hbm>>) dst(%arg7 : memref<4x4096xf32, #tpu.memory_space<vmem>>)
      %parallel_loop3A_307 = arith.constant 0 : i32
      %parallel_loop3A_308 = arith.constant 256 : i32
      %parallel_loop3A_309 = arith.constant 1 : i32
      scf.for %parallel_loop3A_326 = %parallel_loop3A_307 to %parallel_loop3A_308 step %parallel_loop3A_309  : i32 {
        %parallel_loop3A_327 = arith.constant 16 : i32
        %parallel_loop3A_328 = arith.muli %parallel_loop3A_326, %parallel_loop3A_327 : i32
        %parallel_loop3A_329 = arith.index_cast %parallel_loop3A_328 : i32 to index
        %parallel_loop3A_330 = tpu.vector_load %arg5[%parallel_loop3A_329] {strides = array<i32>} : memref<4096xi32, #tpu.memory_space<vmem>>, vector<16xi32>,
        %parallel_loop3A_331 = arith.constant 0 : i32
        %parallel_loop3A_332 = vector.broadcast %parallel_loop3A_331 : i32 to vector<16xi32>
        %parallel_loop3A_333 = tpu.vector_load_idx %arg7[%parallel_loop3A_332, %parallel_loop3A_330] : memref<4x4096xf32, #tpu.memory_space<vmem>>[vector<16xi32>, vector<16xi32>], vector<16xf32>,
        %parallel_loop3A_334 = arith.constant 16 : i32
        %parallel_loop3A_335 = arith.muli %parallel_loop3A_326, %parallel_loop3A_334 : i32
        %parallel_loop3A_336 = arith.constant 4 : i32
        %parallel_loop3A_337 = arith.index_cast %parallel_loop3A_336 : i32 to index
        %parallel_loop3A_338 = arith.index_cast %parallel_loop3A_335 : i32 to index
        %parallel_loop3A_339 = tpu.vector_load %arg9[%parallel_loop3A_337, %parallel_loop3A_338] {strides = array<i32>} : memref<8x4096xf32, #tpu.memory_space<vmem>>, vector<16xf32>,
        tpu.vector_store %arg9[%parallel_loop3A_337, %parallel_loop3A_338], %parallel_loop3A_333 {strides = array<i32>} : memref<8x4096xf32, #tpu.memory_space<vmem>>, vector<16xf32>,
        %parallel_loop3A_340 = arith.constant 1 : i32
        %parallel_loop3A_341 = vector.broadcast %parallel_loop3A_340 : i32 to vector<16xi32>
        %parallel_loop3A_342 = tpu.vector_load_idx %arg7[%parallel_loop3A_341, %parallel_loop3A_330] : memref<4x4096xf32, #tpu.memory_space<vmem>>[vector<16xi32>, vector<16xi32>], vector<16xf32>,
        %parallel_loop3A_343 = arith.constant 16 : i32
        %parallel_loop3A_344 = arith.muli %parallel_loop3A_326, %parallel_loop3A_343 : i32
        %parallel_loop3A_345 = arith.constant 5 : i32
        %parallel_loop3A_346 = arith.index_cast %parallel_loop3A_345 : i32 to index
        %parallel_loop3A_347 = arith.index_cast %parallel_loop3A_344 : i32 to index
        %parallel_loop3A_348 = tpu.vector_load %arg9[%parallel_loop3A_346, %parallel_loop3A_347] {strides = array<i32>} : memref<8x4096xf32, #tpu.memory_space<vmem>>, vector<16xf32>,
        tpu.vector_store %arg9[%parallel_loop3A_346, %parallel_loop3A_347], %parallel_loop3A_342 {strides = array<i32>} : memref<8x4096xf32, #tpu.memory_space<vmem>>, vector<16xf32>,
        %parallel_loop3A_349 = arith.constant 2 : i32
        %parallel_loop3A_350 = vector.broadcast %parallel_loop3A_349 : i32 to vector<16xi32>
        %parallel_loop3A_351 = tpu.vector_load_idx %arg7[%parallel_loop3A_350, %parallel_loop3A_330] : memref<4x4096xf32, #tpu.memory_space<vmem>>[vector<16xi32>, vector<16xi32>], vector<16xf32>,
        %parallel_loop3A_352 = arith.constant 16 : i32
        %parallel_loop3A_353 = arith.muli %parallel_loop3A_326, %parallel_loop3A_352 : i32
        %parallel_loop3A_354 = arith.constant 6 : i32
        %parallel_loop3A_355 = arith.index_cast %parallel_loop3A_354 : i32 to index
        %parallel_loop3A_356 = arith.index_cast %parallel_loop3A_353 : i32 to index
        %parallel_loop3A_357 = tpu.vector_load %arg9[%parallel_loop3A_355, %parallel_loop3A_356] {strides = array<i32>} : memref<8x4096xf32, #tpu.memory_space<vmem>>, vector<16xf32>,
        tpu.vector_store %arg9[%parallel_loop3A_355, %parallel_loop3A_356], %parallel_loop3A_351 {strides = array<i32>} : memref<8x4096xf32, #tpu.memory_space<vmem>>, vector<16xf32>,
        %parallel_loop3A_358 = arith.constant 3 : i32
        %parallel_loop3A_359 = vector.broadcast %parallel_loop3A_358 : i32 to vector<16xi32>
        %parallel_loop3A_360 = tpu.vector_load_idx %arg7[%parallel_loop3A_359, %parallel_loop3A_330] : memref<4x4096xf32, #tpu.memory_space<vmem>>[vector<16xi32>, vector<16xi32>], vector<16xf32>,
        %parallel_loop3A_361 = arith.constant 16 : i32
        %parallel_loop3A_362 = arith.muli %parallel_loop3A_326, %parallel_loop3A_361 : i32
        %parallel_loop3A_363 = arith.constant 7 : i32
        %parallel_loop3A_364 = arith.index_cast %parallel_loop3A_363 : i32 to index
        %parallel_loop3A_365 = arith.index_cast %parallel_loop3A_362 : i32 to index
        %parallel_loop3A_366 = tpu.vector_load %arg9[%parallel_loop3A_364, %parallel_loop3A_365] {strides = array<i32>} : memref<8x4096xf32, #tpu.memory_space<vmem>>, vector<16xf32>,
        tpu.vector_store %arg9[%parallel_loop3A_364, %parallel_loop3A_365], %parallel_loop3A_360 {strides = array<i32>} : memref<8x4096xf32, #tpu.memory_space<vmem>>, vector<16xf32>,
      } {sc.loop_unroll_factor = 8 : i64, sc.parallel_access}
      %add3A_310 = arith.constant 2 : i32
      %add3A_311 = arith.addi %add3A_254, %add3A_310 : i32
      %lt3A_312 = arith.constant 128 : i32
      %lt3A_313 = arith.cmpi slt, %add3A_311, %lt3A_312 : i32
      %convert_element_type3A_314 = arith.extui %lt3A_313 : i1 to i32
      %cond3A_315 = arith.constant 0 : i32
      %cond3A_316 = arith.cmpi ne, %convert_element_type3A_314, %cond3A_315 : i32
      scf.if %cond3A_316 {
        %add3A_326 = arith.constant 2 : i32
        %add3A_327 = arith.addi %add3A_254, %add3A_326 : i32
        %jit3A_328 = arith.constant 2 : i32
        %div3A_329 = arith.divsi %add3A_327, %jit3A_328 : i32
        %sign3A_330 = arith.constant 0 : i32
        %sign3A_331 = arith.cmpi sgt, %add3A_327, %sign3A_330 : i32
        %sign3A_332 = arith.extui %sign3A_331 : i1 to i32
        %sign3A_333 = arith.constant 0 : i32
        %sign3A_334 = arith.cmpi slt, %add3A_327, %sign3A_333 : i32
        %sign3A_335 = arith.extui %sign3A_334 : i1 to i32
        %sign3A_336 = arith.subi %sign3A_332, %sign3A_335 : i32
        %sign3A_337 = arith.constant 0 : i32
        %sign3A_338 = arith.cmpi sgt, %jit3A_328, %sign3A_337 : i32
        %sign3A_339 = arith.extui %sign3A_338 : i1 to i32
        %sign3A_340 = arith.constant 0 : i32
        %sign3A_341 = arith.cmpi slt, %jit3A_328, %sign3A_340 : i32
        %sign3A_342 = arith.extui %sign3A_341 : i1 to i32
        %sign3A_343 = arith.subi %sign3A_339, %sign3A_342 : i32
        %ne3A_344 = arith.cmpi ne, %sign3A_336, %sign3A_343 : i32
        %rem3A_345 = arith.remsi %add3A_327, %jit3A_328 : i32
        %ne3A_346 = arith.constant 0 : i32
        %ne3A_347 = arith.cmpi ne, %rem3A_345, %ne3A_346 : i32
        %and3A_348 = arith.andi %ne3A_344, %ne3A_347 : i1
        %sub3A_349 = arith.constant 1 : i32
        %sub3A_350 = arith.subi %div3A_329, %sub3A_349 : i32
        %select_n3A_351 = arith.select %and3A_348, %sub3A_350, %div3A_329 : i32
        %jit3A_352 = arith.constant 2 : i32
        %eq3A_353 = arith.constant 0 : i32
        %eq3A_354 = arith.cmpi eq, %jit3A_352, %eq3A_353 : i32
        %jit3A_355 = arith.constant 1 : i32
        %select_n3A_356 = arith.select %eq3A_354, %jit3A_355, %jit3A_352 : i32
        %rem3A_357 = arith.remsi %add3A_327, %select_n3A_356 : i32
        %ne3A_358 = arith.constant 0 : i32
        %ne3A_359 = arith.cmpi ne, %rem3A_357, %ne3A_358 : i32
        %lt3A_360 = arith.constant 0 : i32
        %lt3A_361 = arith.cmpi slt, %rem3A_357, %lt3A_360 : i32
        %lt3A_362 = arith.constant 0 : i32
        %lt3A_363 = arith.cmpi slt, %select_n3A_356, %lt3A_362 : i32
        %ne3A_364 = arith.xori %lt3A_361, %lt3A_363 : i1
        %and3A_365 = arith.andi %ne3A_364, %ne3A_359 : i1
        %add3A_366 = arith.addi %rem3A_357, %select_n3A_356 : i32
        %select_n3A_367 = arith.select %and3A_365, %add3A_366, %rem3A_357 : i32
        %mul3A_368 = arith.constant 32 : i32
        %mul3A_369 = arith.muli %select_n3A_351, %mul3A_368 : i32
        %add3A_370 = arith.addi %add3A, %mul3A_369 : i32
        %mul3A_371 = arith.constant 8 : i32
        %mul3A_372 = arith.muli %add3A_370, %mul3A_371 : i32
        %mul3A_373 = arith.constant 4 : i32
        %mul3A_374 = arith.muli %select_n3A_367, %mul3A_373 : i32
        %add3A_375 = arith.addi %mul3A_372, %mul3A_374 : i32
        %dma_start3A_376 = arith.constant 0 : i32
        %dma_start3A_377 = tpu.memref_slice %arg2[%add3A_375, %dma_start3A_376] : memref<16384x4096xf32, #tpu.memory_space<hbm>> -> memref<4x4096xf32, #tpu.memory_space<hbm>>
        %dma_start3A_378 = arith.constant 0 : i32
        %dma_start3A_379 = tpu.memref_slice %arg2[%add3A_375, %dma_start3A_378] : memref<16384x4096xf32, #tpu.memory_space<hbm>> -> memref<4x4096xf32, #tpu.memory_space<hbm>>
        tpu.enqueue_dma source(%dma_start3A_379 : memref<4x4096xf32, #tpu.memory_space<hbm>>) target(%arg7 : memref<4x4096xf32, #tpu.memory_space<vmem>>) target_semaphore(%arg11 : memref<!tpu.dma_semaphore, #tpu.memory_space<semaphore_mem>>)
      } else {
      }
      %mul3A_317 = arith.constant 32 : i32
      %mul3A_318 = arith.muli %add3A_179, %mul3A_317 : i32
      %add3A_319 = arith.addi %add3A, %mul3A_318 : i32
      %mul3A_320 = arith.constant 8 : i32
      %mul3A_321 = arith.muli %add3A_319, %mul3A_320 : i32
      %dma_start3A_322 = arith.constant 0 : i32
      %dma_start3A_323 = tpu.memref_slice %arg4[%mul3A_321, %dma_start3A_322] : memref<16384x4096xf32, #tpu.memory_space<hbm>> -> memref<8x4096xf32, #tpu.memory_space<hbm>>
      %dma_start3A_324 = arith.constant 0 : i32
      %dma_start3A_325 = tpu.memref_slice %arg4[%mul3A_321, %dma_start3A_324] : memref<16384x4096xf32, #tpu.memory_space<hbm>> -> memref<8x4096xf32, #tpu.memory_space<hbm>>
      tpu.enqueue_dma source(%arg9 : memref<8x4096xf32, #tpu.memory_space<vmem>>) target(%dma_start3A_325 : memref<8x4096xf32, #tpu.memory_space<hbm>>) target_semaphore(%arg13 : memref<!tpu.dma_semaphore, #tpu.memory_space<semaphore_mem>>)
    }
    %scan3A_23 = arith.constant 32 : i32
    %add3A_24 = arith.constant 0 : i32
    %add3A_25 = arith.addi %add3A, %add3A_24 : i32
    %mul3A_26 = arith.constant 8 : i32
    %mul3A_27 = arith.muli %add3A_25, %mul3A_26 : i32
    %dma_wait3A = arith.constant 0 : i32
    %dma_wait3A_28 = tpu.memref_slice %arg4[%mul3A_27, %dma_wait3A] : memref<16384x4096xf32, #tpu.memory_space<hbm>> -> memref<8x4096xf32, #tpu.memory_space<hbm>>
    %dma_wait3A_29 = arith.constant 0 : i32
    %dma_wait3A_30 = tpu.memref_slice %arg4[%mul3A_27, %dma_wait3A_29] : memref<16384x4096xf32, #tpu.memory_space<hbm>> -> memref<8x4096xf32, #tpu.memory_space<hbm>>
    tpu.wait_dma2 semaphore(%arg12 : memref<!tpu.dma_semaphore, #tpu.memory_space<semaphore_mem>>) src(%arg8 : memref<8x4096xf32, #tpu.memory_space<vmem>>) dst(%dma_wait3A_30 : memref<8x4096xf32, #tpu.memory_space<hbm>>)
    %add3A_31 = arith.constant 32 : i32
    %add3A_32 = arith.addi %add3A, %add3A_31 : i32
    %mul3A_33 = arith.constant 8 : i32
    %mul3A_34 = arith.muli %add3A_32, %mul3A_33 : i32
    %dma_wait3A_35 = arith.constant 0 : i32
    %dma_wait3A_36 = tpu.memref_slice %arg4[%mul3A_34, %dma_wait3A_35] : memref<16384x4096xf32, #tpu.memory_space<hbm>> -> memref<8x4096xf32, #tpu.memory_space<hbm>>
    %dma_wait3A_37 = arith.constant 0 : i32
    %dma_wait3A_38 = tpu.memref_slice %arg4[%mul3A_34, %dma_wait3A_37] : memref<16384x4096xf32, #tpu.memory_space<hbm>> -> memref<8x4096xf32, #tpu.memory_space<hbm>>
    tpu.wait_dma2 semaphore(%arg13 : memref<!tpu.dma_semaphore, #tpu.memory_space<semaphore_mem>>) src(%arg9 : memref<8x4096xf32, #tpu.memory_space<vmem>>) dst(%dma_wait3A_38 : memref<8x4096xf32, #tpu.memory_space<hbm>>)
    return
  }
}

</mosaic_0001>

<sc_bundles>
// kernel: kernel.3.cloned.1.call-start
scs
__scs_entry_jumppad:
0x0: {  	(pc) =	sbr.rel $0x88, $3  }
0x1: {  	(tag) =	ssettag $0x0;
	lr =	simm.s32 $0x1  }
0x2: {  	[smem:$0x3F9F] =	sst lr;
	_ =	strace $0xD0000000  }
0x3: {  	_ = 	snop  }
0x4: {  	_ = 	snop  }
0x5: {  	_ = 	snop  }
0x6: {  	_ = 	snop  }
0x7: {  	_ = 	snop  }
__scs_overlays_trampoline_lowered:
0x8: {  	[smem:$0x3FAE] =	sst s0  }
0x9: {  	[smem:$0x3FAF] =	sst s1  }
0xa: {  	[smem:$0x3FB0] =	sst s2  }
0xb: {  	[smem:$0x3FB1] =	sst s3  }
0xc: {  	[smem:$0x3FB2] =	sst s4  }
0xd: {  	[smem:$0x3FB3] =	sst s5  }
0xe: {  	[smem:$0x3FB4] =	sst s6  }
0xf: {  	[smem:$0x3FB5] =	sst s7  }
0x10: {  	[smem:$0x3FB6] =	sst s8  }
0x11: {  	[smem:$0x3FB7] =	sst s9;
	s0 =	simm.s32 @!p0 $0x0  }
0x12: {  	s1 =	sld [smem:$0x3F9D];
	s0 =	simm.s32 @p0 $0x1  }
0x13: {  	[smem:$0x3FB8] =	sst s0;
	s0 =	simm.s32 @!p1 $0x0  }
0x14: {  	s2 =	sld [smem:$0x3F9C];
	s0 =	simm.s32 @p1 $0x1  }
0x15: {  	[smem:$0x3FB9] =	sst s0;
	s0 =	simm.s32 @!p2 $0x0  }
0x16: {  	s3 =	sld [smem:$0x3FDB];
	s0 =	simm.s32 @p2 $0x1  }
0x17: {  	s4 =	simm.s32 $0x1BF5;
	[smem:$0x3FBB] =	sst s0  }
0x18: {  	s0 =	sld [smem:$0x3F9E];
	_ =	swait.ge [sflag:s4], $0x0  }
0x19: {  	s7 =	sld [smem:$0x3F9F]  }
0x1a: {  	s8 =	sadd.s32 $0xFFFFE003, lr  }
0x1b: {  	s9 =	sadd.s32 $0xFFFFFEF7, lr;
	s5 =	simm.s32 $0xFFFFFFFF;
	p2 =	slt.u32 s8, $0xFFFFF086  }
0x1c: {  	p1 =	slt.u32 s9, $0xF7A;
	s5 =	simm.s32 @!p2 $0x0  }
0x1d: {  	s5 =	simm.s32 @p1 $0x1;
	p0 =	seq.s32 s7, s2  }
0x1e: {  	s7 =	smul.u32 @!p0 $0xF7A, s2;
	p2 =	seq.s32 @!p0 s5, $0x0  }
0x1f: {  	s9 =	smul.u32 $0xF7A, s1;
	s8 =	simm.s32 @!p0 $0x1BF5;
	p2 =	por !p2, p0  }
0x20: {  	[sflag:s8] =	ssyncset.s32 @!p0 $0xFFFFF086;
	s6 =	sadd.s32 @!p0 s3, s7;
	s7 =	simm.s32 @!p0 $0x108  }
0x21: {  	s3 =	sadd.s32 s3, s9;
	s6 =	sadd.s32 @!p0 $0x88, s6;
	s7 =	simm.s32 @p2 $0x1082  }
0x22: {  	[simem:s7], [sflag:s8] =	dma.local @!p0 [hbm:s6], $0xF7A  }
0x23: {  	s9 =	sor.u32 $0xD0000000, s2;
	s6 =	simm.s32 $0x108;
	_ =	swait.ge @!p0 [sflag:s8], $0x0  }
0x24: {  	s3 =	sadd.s32 $0x88, s3;
	s6 =	simm.s32 @!p1 $0x1082;
	[sflag:s4] =	ssyncset.s32 $0xFFFFF086  }
0x25: {  	[simem:s6], [sflag:s4] =	dma.local [hbm:s3], $0xF7A  }
0x26: {  	[smem:$0x3F9F] =	sst s1;
	(tag) =	ssettag s2;
	_ =	strace s9  }
0x27: {  	s1 =	sld [smem:$0x3FAF]  }
0x28: {  	s2 =	sld [smem:$0x3FB0]  }
0x29: {  	s4 =	sld [smem:$0x3FB2]  }
0x2a: {  	p0 =	seq.s32 s5, $0x0;
	s5 =	sld [smem:$0x3FB3]  }
0x2b: {  	s6 =	sld [smem:$0x3FB4]  }
0x2c: {  	s7 =	sld [smem:$0x3FB5]  }
0x2d: {  	s3 =	simm.s32 $0x108;
	s8 =	sld [smem:$0x3FB6]  }
0x2e: {  	s3 =	simm.s32 @!p0 $0x1082;
	s9 =	sld [smem:$0x3FB7]  }
0x2f: {  	lr =	sadd.s32 s0, s3;
	s0 =	sld [smem:$0x3FAE]  }
0x30: {  	s3 =	sld [smem:$0x3FB1]  }
0x31: {  	[smem:$0x3FBA] =	sst s10  }
0x32: {  	s10 =	sld [smem:$0x3FB8];
	_ =	sdelay $0x3  }
0x33: {  	p0 =	seq.s32 s10, $0x1;
	s10 =	sld [smem:$0x3FBA];
	_ =	sdelay $0x3  }
0x34: {  	[smem:$0x3FBA] =	sst s10  }
0x35: {  	s10 =	sld [smem:$0x3FB9];
	_ =	sdelay $0x3  }
0x36: {  	p1 =	seq.s32 s10, $0x1;
	s10 =	sld [smem:$0x3FBA];
	_ =	sdelay $0x3  }
0x37: {  	[smem:$0x3FBA] =	sst s10  }
0x38: {  	s10 =	sld [smem:$0x3FBB]  }
0x39: {  	_ = 	snop;
	(pc) =	sbr.ind lr, $3  }
0x3a: {  	_ = 	snop  }
0x3b: {  	_ = 	snop  }
0x3c: {  	p2 =	seq.s32 s10, $0x1;
	s10 =	sld [smem:$0x3FBA]  }
0x3d: {  	_ =	shalt  }
0x3e: {  	_ =	shalt  }
0x3f: {  	_ =	shalt  }
0x40: {  	_ =	shalt  }
0x41: {  	_ =	shalt  }
0x42: {  	_ =	shalt  }
0x43: {  	_ =	shalt  }
0x44: {  	_ =	shalt  }
0x45: {  	_ =	shalt  }
0x46: {  	_ =	shalt  }
0x47: {  	_ =	shalt  }
0x48: {  	_ =	shalt  }
0x49: {  	_ =	shalt  }
0x4a: {  	_ =	shalt  }
0x4b: {  	_ =	shalt  }
0x4c: {  	_ =	shalt  }
0x4d: {  	_ =	shalt  }
0x4e: {  	_ =	shalt  }
0x4f: {  	_ =	shalt  }
0x50: {  	_ =	shalt  }
0x51: {  	_ =	shalt  }
0x52: {  	_ =	shalt  }
0x53: {  	_ =	shalt  }
0x54: {  	_ =	shalt  }
0x55: {  	_ =	shalt  }
0x56: {  	_ =	shalt  }
0x57: {  	_ =	shalt  }
0x58: {  	_ =	shalt  }
0x59: {  	_ =	shalt  }
0x5a: {  	_ =	shalt  }
0x5b: {  	_ =	shalt  }
0x5c: {  	_ =	shalt  }
0x5d: {  	_ =	shalt  }
0x5e: {  	_ =	shalt  }
0x5f: {  	_ =	shalt  }
0x60: {  	_ =	shalt  }
0x61: {  	_ =	shalt  }
0x62: {  	_ =	shalt  }
0x63: {  	_ =	shalt  }
0x64: {  	_ =	shalt  }
0x65: {  	_ =	shalt  }
0x66: {  	_ =	shalt  }
0x67: {  	_ =	shalt  }
0x68: {  	_ =	shalt  }
0x69: {  	_ =	shalt  }
0x6a: {  	_ =	shalt  }
0x6b: {  	_ =	shalt  }
0x6c: {  	_ =	shalt  }
0x6d: {  	_ =	shalt  }
0x6e: {  	_ =	shalt  }
0x6f: {  	_ =	shalt  }
0x70: {  	_ =	shalt  }
0x71: {  	_ =	shalt  }
0x72: {  	_ =	shalt  }
0x73: {  	_ =	shalt  }
0x74: {  	_ =	shalt  }
0x75: {  	_ =	shalt  }
0x76: {  	_ =	shalt  }
0x77: {  	_ =	shalt  }
0x78: {  	_ =	shalt  }
0x79: {  	_ =	shalt  }
0x7a: {  	_ =	shalt  }
0x7b: {  	_ =	shalt  }
0x7c: {  	_ =	shalt  }
0x7d: {  	_ =	shalt  }
0x7e: {  	_ =	shalt  }
0x7f: {  	_ =	shalt  }
0x80: {  	_ =	shalt  }
0x81: {  	_ =	shalt  }
0x82: {  	_ =	shalt  }
0x83: {  	_ =	shalt  }
0x84: {  	_ =	shalt  }
0x85: {  	_ =	shalt  }
0x86: {  	_ =	shalt  }
0x87: {  	_ =	shalt  }
.Lfunc_end0:
.L_simem_size_0:
called_computation_lowered:
.L_overlay_start_0:
0x88: {  	s2 =	sld [smem:$0x3FD9]  }
0x89: {  	s3 =	sld [smem:$0x3FFE];
	_ =	sdelay $0x1  }
0x8a: {  	s1 =	srdreg.scid  }
0x8b: {  	s0 =	sand.u32 $0x1, s1  }
0x8c: {  	s18 =	sshll.u32 s0, $0xA;
	s2 =	sadd.s32 s3, s2  }
0x8d: {  	s2 =	sadd.s32 s2, s18  }
0x8e: {  	[smem:$0x3FC6] =	sst s2  }
0x8f: {  	_ = 	snop  }
0x90: {  	s2 =	sld [smem:$0x3FC9]  }
0x91: {  	s19 =	sld [smem:$0x3FC8]  }
0x92: {  	s4 =	sld [smem:$0x3FD0];
	(tm) =	ssettm $0x1  }
0x93: {  	s5 =	sld [smem:$0x3FFB];
	_ =	sdelay $0x3  }
0x94: {  	_ =	strace s5  }
0x95: {  	s5 =	sld [smem:$0x3FFC];
	_ =	sdelay $0x3  }
0x96: {  	_ =	strace s5  }
0x97: {  	s5 =	sld [smem:$0x3FFD];
	_ =	sdelay $0x3  }
0x98: {  	_ =	strace s5  }
0x99: {  	_ =	strace $0x8FFFFFFF  }
0x9a: {  	s20 =	sld [smem:$0x3FDB];
	_ =	sdelay $0x1  }
0x9b: {  	s6 =	simm.s32 $_scs_section_size  }
0x9c: {  	s7 =	simm.s32 $_size__tile_overlayer_lowered;
	s8 =	simm.s32 $_tile_overlayer_lowered  }
0x9d: {  	s23 =	simm.s32 $0x1BFF;
	s22 =	sshll.u32 s8, $0x1;
	s5 =	sadd.s32 s6, s20  }
0x9e: {  	s9 =	simm.s32 $0x0;
	s21 =	sshll.u32 s7, $0x1;
	s7 =	sadd.s32 s22, s5  }
0x9f: {  	[timem:s9], [sflag:s23] =	dma.local [hbm:s7], s21  }
0xa0: {  	_ =	swait.ge [sflag:s23], s21  }
0xa1: {  	s6 =	ssub.s32 $0x0, s21;
	[sflag:s23] =	ssyncset.done $0x0  }
0xa2: {  	[sflag:s23] =	ssyncadd.s32 s6;
	_ =	sdelay $0x1  }
0xa3: {  	s24 =	simm.s32 $0x1B8B  }
0xa4: {  	_ =	swait.ge [sflag:s24], $0x1  }
0xa5: {  	[sflag:s24] =	ssyncset.done $0x0  }
0xa6: {  	s25 =	simm.s32 $0x1B8E;
	[sflag:s24] =	ssyncadd.s32 $0xFFFFFFFF  }
0xa7: {  	s26 =	simm.s32 $execute0_lowered;
	[smem:$0x3FD2] =	sst s25  }
0xa8: {  	s6 =	sshll.u32 s26, $0x1;
	_ =	strace $0x80000046;
	[dreg:$0x1] =	wrdreg $0xFFFFFFFF  }
0xa9: {  	s28 =	simm.s32 $_size_execute0_lowered;
	s5 =	sadd.s32 s5, s6;
	[dreg:$0x0] =	wrdreg $0x0  }
0xaa: {  	s6 =	sshll.u32 s28, $0x1;
	[dreg:$0x2] =	wrdreg s5  }
0xab: {  	[dreg:$0x3] =	wrdreg s6  }
0xac: {  	[dreg:$0x4] =	wrdreg $0xC0  }
0xad: {  	_ =	task [dreg:s9], $0x5FFFF  }
0xae: {  	[dreg:$0x1] =	wrdreg $0xFFFFFFFF  }
0xaf: {  	[dreg:$0x0] =	wrdreg $0x60  }
0xb0: {  	[dreg:$0x2] =	wrdreg s2  }
0xb1: {  	[dreg:$0x3] =	wrdreg s19  }
0xb2: {  	[dreg:$0x4] =	wrdreg s4  }
0xb3: {  	[dreg:$0x5] =	wrdreg $0x9  }
0xb4: {  	_ =	task.clear_ibuf [dreg:s9], $0x6FFFF;
	_ =	strace $0x90000046  }
0xb5: {  	s29 =	simm.s32 $0x9;
	_ =	strace $0x80000048  }
0xb6: {  	_ =	swait.ge [sflag:s29], $0x1  }
0xb7: {  	[sflag:s29] =	ssyncadd.s32 $0xFFFFFFFF  }
0xb8: {  	_ =	strace $0x90000048  }
0xb9: {  	_ =	sfence  }
0xba: {  	s30 =	sld [smem:$0x0];
	_ =	sdelay $0x2  }
0xbb: {  	s31 =	sshll.u32 s1, $0xD;
	s1 =	sshrl.u32 s1, $0x2  }
0xbc: {  	s3 =	sand.u32 $0x4000, s31;
	s1 =	sadd.s32 s1, s30  }
0xbd: {  	s0 =	sor.u32 s3, s0;
	s1 =	sshll.u32 s1, $0x11  }
0xbe: {  	s0 =	sor.u32 s1, s0  }
0xbf: {  	s0 =	sadd.s32 $0x8F2B, s0  }
0xc0: {  	[sflag:s0] =	ssyncadd.remote.s32 $0x1  }
0xc1: {  	_ =	sfence.sel $0xFFFF  }
0xc2: {  	[dreg:$0x0] =	wrdreg $0xFFFFFFFF;
	(pc) =	sbr.abs _section_cstart, $3  }
0xc3: {  	[dreg:$0x1] =	wrdreg $0xFFFFFFFF  }
0xc4: {  	_ =	task.clear_ibuf [dreg:s9], $0x2FFFF;
	_ =	strace $0x9FFFFFFF  }
0xc5: {  	(tm) =	ssettm $0x7FFFFFFF  }
tec
execute0_lowered:
.L_overlay_start_1:
0x0: {  	(tag) =	ssettag $0x1  }
0x1: {  	s0 =	rddreg [dreg:$0x0];
	s1 =	srdreg.scid  }
0x2: {  	s3 =	rddreg [dreg:$0x2];
	s2 =	stileid.u32  }
0x3: {  	s4 =	simm.s32 $0x0;
	s14 =	simm.s32 $0x5;
	s15 =	simm.s32 $0x200  }
0x4: {  	s16 =	simm.s32 $0x400;
	s17 =	simm.s32 $0x1000;
	s18 =	simm.s32 $0x5000  }
0x5: {  	s19 =	simm.s32 $0x1;
	s20 =	simm.s32 $0x2;
	s21 =	simm.s32 $0x9000  }
0x6: {  	s22 =	simm.s32 $0x11000;
	s23 =	simm.s32 $0x3;
	s24 =	simm.s32 $0x4  }
0x7: {  	s25 =	simm.s32 $0x0;
	s1 =	sand.u32 $0x1, s1;
	s2 =	sshll.u32 s2, $0xD  }
0x8: {  	[smem:$0x7FF] =	sst s4;
	s8 =	sadd.s32 $0x20000, s0;
	s5 =	sshll.u32 s1, $0xC  }
0x9: {  	s9 =	sadd.s32 $0x20040, s0;
	s1 =	ssub.s32 $0x2, s1;
	s5 =	sor.u32 s5, s2  }
0xa: {  	_ =	strace $0x80000047;
	s31 =	sshrl.u32 s1, $0x1;
	s6 =	sadd.s32 s0, s5  }
0xb: {  	s1 =	ssub.s32 s1, s31;
	s11 =	sadd.s32 s3, s5;
	s13 =	sadd.s32 s5, s8  }
0xc: {  	s7 =	sadd.s32 $0x40, s6;
	s10 =	sadd.s32 $0x40040, s6;
	s12 =	smax.u32 s1, $0x1  }
.LBB2_1:
0xd: {  	s0 =	rddreg [dreg:$0x1]  }
0xe: {  	[tilespmem:s4], [sflag:$0x5] =	stream.linear.gather [hbm4b:s0+s4], $0x1000, $0x38;
	[tilespmem:$0x19000] =	vst v63  }
0xf: {  	_ =	swait.ge [sflag:s14], $0x1000  }
0x10: {  	[sflag:s14] =	ssyncset.done $0x0  }
0x11: {  	[sflag:s14] =	ssyncadd.s32 $0xFFFFF000  }
0x12: {  	[tilespmem:s17], [sflag:$0x1] =	stream.strided.gather [hbm4b:s6+s15], $0x4000, s16, s15, $0x38;
	[tilespmem:$0x19000] =	vst v63  }
0x13: {  	s26 =	simm.s32 $0x0  }
0x14: {  	[tilespmem:s18], [sflag:$0x2] =	stream.strided.gather [hbm4b:s7+s15], $0x4000, s16, s15, $0x38;
	[tilespmem:$0x19000] =	vst v63  }
.LBB2_2:
0x15: {  	p0 =	seq.s32 s26, $0x0  }
0x16: {  	s0 =	simm.s32 @!p0 $0x3  }
0x17: {  	_ =	swait.ge @!p0 [sflag:s0], $0x8000  }
0x18: {  	[sflag:s0] =	ssyncset.done @!p0 $0x0  }
0x19: {  	[sflag:s0] =	ssyncadd.s32 @!p0 $0xFFFF8000  }
0x1a: {  	_ =	swait.ge [sflag:s19], $0x4000  }
0x1b: {  	[sflag:s19] =	ssyncset.done $0x0  }
0x1c: {  	s30 =	simm.s32 $0x40;
	[sflag:s19] =	ssyncadd.s32 $0xFFFFC000  }
0x1d: {  	v0 =	vld [tilespmem:s30+$0xFFFFFFC0]  }
0x1e: {  	v1 =	vld [tilespmem:s30+$0x10]  }
0x1f: {  	v3 =	vld [tilespmem:s30+$0xFFFFFFE0]  }
0x20: {  	v2 =	vld [tilespmem:s30+$0x0];
	_ =	sdelay $0x1  }
0x21: {  	v6 =	vld [tilespmem:s30+$0x20]  }
0x22: {  	v7 =	vld [tilespmem:s30+$0xFFFFFFF0];
	v4 =	vshll.u32 v0, $0x2;
	v0 =	vand.u32 $0x7F, v0;
	v5 =	vshll.u32 v1, $0x2  }
0x23: {  	v1 =	vand.u32 $0x7F, v1;
	v9 =	vshll.u32 v3, $0x2;
	v4 =	vand.u32 $0xFFFFFE00, v4  }
0x24: {  	v8 =	vld [tilespmem:s30+$0xFFFFFFD0];
	v3 =	vand.u32 $0x7F, v3;
	v4 =	vor.u32 v0, v4;
	v0 =	vshll.u32 v2, $0x2  }
0x25: {  	v5 =	vand.u32 $0xFFFFFE00, v5;
	v2 =	vand.u32 $0x7F, v2;
	v0 =	vand.u32 $0xFFFFFE00, v0  }
0x26: {  	v5 =	vor.u32 v1, v5;
	v0 =	vor.u32 v2, v0;
	v2 =	vand.u32 $0xFFFFFE00, v9;
	v9 =	vld [tilespmem:s30+$0x30]  }
0x27: {  	v11 =	vand.u32 $0x7F, v7;
	v2 =	vor.u32 v3, v2;
	v3 =	vshll.u32 v6, $0x2  }
0x28: {  	v1 =	vand.u32 $0x7F, v6;
	v12 =	vor.u32 $0x80, v4;
	v3 =	vand.u32 $0xFFFFFE00, v3  }
0x29: {  	v6 =	vshll.u32 v7, $0x2;
	v10 =	vld.idx.msk [tilespmem:v4+s17+$0x0], $0xffff;
	v1 =	vor.u32 v1, v3;
	v3 =	vshll.u32 v8, $0x2  }
0x2a: {  	v6 =	vand.u32 $0xFFFFFE00, v6;
	v8 =	vand.u32 $0x7F, v8;
	v3 =	vand.u32 $0xFFFFFE00, v3  }
0x2b: {  	v6 =	vor.u32 v11, v6;
	v17 =	vld.idx.msk [tilespmem:v5+s17+$0x0], $0xffff;
	v7 =	vor.u32 v8, v3;
	v3 =	vshll.u32 v9, $0x2  }
0x2c: {  	v13 =	vld.idx.msk [tilespmem:v0+s17+$0x0], $0xffff;
	v8 =	vand.u32 $0x7F, v9;
	v3 =	vand.u32 $0xFFFFFE00, v3  }
0x2d: {  	s31 =	simm.s32 $0x9100;
	v11 =	vld.idx.msk [tilespmem:v2+s17+$0x0], $0xffff;
	v3 =	vor.u32 v8, v3  }
0x2e: {  	v20 =	vor.u32 $0x80, v0;
	[tilespmem:s31+$0xFFFFFF00] =	vst v10;
	v9 =	vld.idx.msk [tilespmem:v1+s17+$0x0], $0xffff  }
0x2f: {  	v18 =	vld.idx.msk [tilespmem:v12+s17+$0x0], $0xffff;
	v12 =	vor.u32 $0x80, v5  }
0x30: {  	s29 =	sshll.u32 s26, $0x1;
	v15 =	vor.u32 $0x80, v2;
	v16 =	vld.idx.msk [tilespmem:v6+s17+$0x0], $0xffff  }
0x31: {  	s28 =	simm.s32 $0x0;
	s1 =	simm.s32 $0x9100;
	s0 =	simm.s32 $0xC0;
	v14 =	vor.u32 $0x80, v7;
	v8 =	vor.u32 $0x80, v3;
	v10 =	vor.u32 $0x80, v1;
	v19 =	vld.idx.msk [tilespmem:v7+s17+$0x0], $0xffff  }
.LBB2_3:
0x32: {  	s28 =	sadd.s32 $0x8, s28;
	[tilespmem:s31+$0xFFFFFF40] =	vst v13;
	v13 =	vld.idx.msk [tilespmem:v3+s17+$0x0], $0xffff;
	s1 =	sadd.s32 $0x400, s1  }
0x33: {  	p1 =	slt.u32 s28, $0xF8;
	v20 =	vld.idx.msk [tilespmem:v20+s17+$0x0], $0xffff;
	[tilespmem:s31+$0xFFFFFF50] =	vst v17  }
0x34: {  	v17 =	vor.u32 $0x100, v4;
	v12 =	vld.idx.msk [tilespmem:v12+s17+$0x0], $0xffff  }
0x35: {  	v21 =	vld [tilespmem:s0+$0x10];
	[tilespmem:s31+$0xFFFFFF80] =	vst v18  }
0x36: {  	v18 =	vld [tilespmem:s0+$0xFFFFFFE0];
	[tilespmem:s31+$0xFFFFFF10] =	vst v19;
	v19 =	vor.u32 $0x80, v6  }
0x37: {  	v14 =	vld.idx.msk [tilespmem:v14+s17+$0x0], $0xffff;
	[tilespmem:s31+$0xFFFFFF20] =	vst v11  }
0x38: {  	v11 =	vld.idx.msk [tilespmem:v15+s17+$0x0], $0xffff;
	[tilespmem:s31+$0xFFFFFF70] =	vst v13  }
0x39: {  	v13 =	vld.idx.msk [tilespmem:v17+s17+$0x0], $0xffff;
	[tilespmem:s31+$0xFFFFFFC0] =	vst v20  }
0x3a: {  	v15 =	vld [tilespmem:s0+$0xFFFFFFF0];
	[tilespmem:s31+$0xFFFFFF30] =	vst v16  }
0x3b: {  	v16 =	vld.idx.msk [tilespmem:v19+s17+$0x0], $0xffff;
	[tilespmem:s31+$0xFFFFFFD0] =	vst v12  }
0x3c: {  	v12 =	vld [tilespmem:s0+$0xFFFFFFC0];
	[tilespmem:s31+$0xFFFFFF60] =	vst v9  }
0x3d: {  	[tilespmem:s31+$0xFFFFFF90] =	vst v14;
	v8 =	vld.idx.msk [tilespmem:v8+s17+$0x0], $0xffff  }
0x3e: {  	v9 =	vld [tilespmem:s0+$0x20];
	[tilespmem:s31+$0xFFFFFFA0] =	vst v11;
	v11 =	vor.u32 $0x100, v5  }
0x3f: {  	v14 =	vld [tilespmem:s0+$0x30];
	[tilespmem:s31+$0x0] =	vst v13;
	v13 =	vor.u32 $0x100, v7  }
0x40: {  	v19 =	vor.u32 $0x100, v6;
	v17 =	vld [tilespmem:s0+$0xFFFFFFD0]  }
0x41: {  	v20 =	vor.u32 $0x180, v4;
	[tilespmem:s31+$0xFFFFFFB0] =	vst v16;
	v10 =	vld.idx.msk [tilespmem:v10+s17+$0x0], $0xffff  }
0x42: {  	v22 =	vor.u32 $0x100, v2;
	v23 =	vor.u32 $0x180, v5;
	v5 =	vor.u32 $0x100, v1;
	v16 =	vld [tilespmem:s0+$0x0]  }
0x43: {  	v24 =	vor.u32 $0x100, v0;
	v4 =	vshll.u32 v12, $0x2;
	v11 =	vld.idx.msk [tilespmem:v11+s17+$0x0], $0xffff;
	[tilespmem:s31+$0xFFFFFFF0] =	vst v8;
	v8 =	vor.u32 $0x100, v3  }
0x44: {  	v4 =	vand.u32 $0xFFFFFE00, v4;
	v25 =	vand.u32 $0x7F, v14;
	v14 =	vshll.u32 v14, $0x2;
	v13 =	vld.idx.msk [tilespmem:v13+s17+$0x0], $0xffff  }
0x45: {  	v6 =	vor.u32 $0x180, v6;
	v12 =	vand.u32 $0x7F, v12;
	v14 =	vand.u32 $0xFFFFFE00, v14;
	v19 =	vld.idx.msk [tilespmem:v19+s17+$0x0], $0xffff  }
0x46: {  	v7 =	vor.u32 $0x180, v7;
	v4 =	vor.u32 v12, v4;
	v12 =	vshll.u32 v21, $0x2;
	v20 =	vld.idx.msk [tilespmem:v20+s17+$0x0], $0xffff  }
0x47: {  	v26 =	vshll.u32 v15, $0x2;
	v14 =	vor.u32 v25, v14;
	v27 =	vshll.u32 v16, $0x2;
	v22 =	vld.idx.msk [tilespmem:v22+s17+$0x0], $0xffff;
	[tilespmem:s31+$0xFFFFFFE0] =	vst v10  }
0x48: {  	v21 =	vand.u32 $0x7F, v21;
	v10 =	vand.u32 $0xFFFFFE00, v26;
	v16 =	vand.u32 $0x7F, v16;
	v25 =	vld.idx.msk [tilespmem:v5+s17+$0x0], $0xffff  }
0x49: {  	v12 =	vand.u32 $0xFFFFFE00, v12;
	v26 =	vor.u32 $0x180, v2;
	v5 =	vand.u32 $0xFFFFFE00, v27;
	[tilespmem:s31+$0x50] =	vst v11;
	v8 =	vld.idx.msk [tilespmem:v8+s17+$0x0], $0xffff  }
0x4a: {  	v2 =	vshll.u32 v18, $0x2;
	v11 =	vor.u32 v16, v5;
	v5 =	vor.u32 v21, v12;
	[tilespmem:s31+$0x10] =	vst v13;
	v12 =	vld.idx.msk [tilespmem:v24+s17+$0x0], $0xffff  }
0x4b: {  	v2 =	vand.u32 $0xFFFFFE00, v2;
	v13 =	vor.u32 $0x180, v3;
	v3 =	vmov v14;
	v7 =	vld.idx.msk [tilespmem:v7+s17+$0x0], $0xffff;
	[tilespmem:s31+$0x30] =	vst v19  }
0x4c: {  	v14 =	vand.u32 $0x7F, v18;
	v18 =	vor.u32 $0x180, v0;
	v0 =	vmovc v11;
	v19 =	vor.u32 $0x180, v1;
	[tilespmem:s31+$0x80] =	vst v20;
	v16 =	vld.idx.msk [tilespmem:v6+s17+$0x0], $0xffff  }
0x4d: {  	v21 =	vor.u32 $0x80, v4;
	v2 =	vor.u32 v14, v2;
	v1 =	vand.u32 $0x7F, v15;
	[tilespmem:s31+$0x20] =	vst v22;
	v11 =	vld.idx.msk [tilespmem:v23+s17+$0x0], $0xffff  }
0x4e: {  	v6 =	vor.u32 v1, v10;
	v1 =	vshll.u32 v9, $0x2;
	v10 =	vld.idx.msk [tilespmem:v26+s17+$0x0], $0xffff;
	[tilespmem:s31+$0x60] =	vst v25  }
0x4f: {  	v9 =	vand.u32 $0x7F, v9;
	v1 =	vand.u32 $0xFFFFFE00, v1;
	v15 =	vld.idx.msk [tilespmem:v4+s17+$0x0], $0xffff;
	[tilespmem:s31+$0x70] =	vst v8  }
0x50: {  	v1 =	vor.u32 v9, v1;
	[tilespmem:s31+$0x40] =	vst v12;
	v22 =	vld.idx.msk [tilespmem:v13+s17+$0x0], $0xffff  }
0x51: {  	v8 =	vshll.u32 v17, $0x2;
	v12 =	vor.u32 $0x80, v5;
	v13 =	vld.idx.msk [tilespmem:v0+s17+$0x0], $0xffff;
	[tilespmem:s31+$0x90] =	vst v7  }
0x52: {  	v9 =	vand.u32 $0xFFFFFE00, v8;
	v8 =	vor.u32 $0x80, v3;
	v7 =	vand.u32 $0x7F, v17;
	[tilespmem:s31+$0xB0] =	vst v16;
	v16 =	vld.idx.msk [tilespmem:v18+s17+$0x0], $0xffff  }
0x53: {  	v7 =	vor.u32 v7, v9;
	[tilespmem:s31+$0xD0] =	vst v11;
	v23 =	vld.idx.msk [tilespmem:v19+s17+$0x0], $0xffff  }
0x54: {  	v14 =	vor.u32 $0x80, v7;
	v11 =	vld.idx.msk [tilespmem:v2+s17+$0x0], $0xffff  }
.Ltmp0:
0x55: {  	[tilespmem:s1+$0xFFFFFF00] =	vst v15;
	v15 =	vor.u32 $0x80, v2;
	v17 =	vld.idx.msk [tilespmem:v5+s17+$0x0], $0xffff;
	(pc) =	sbr.rel @p1 .LBB2_3-.Ltmp0, $4  }
0x56: {  	v20 =	vor.u32 $0x80, v0;
	v9 =	vld.idx.msk [tilespmem:v1+s17+$0x0], $0xffff;
	[tilespmem:s31+$0xF0] =	vst v22  }
0x57: {  	v18 =	vld.idx.msk [tilespmem:v21+s17+$0x0], $0xffff;
	[tilespmem:s31+$0xA0] =	vst v10  }
0x58: {  	v19 =	vld.idx.msk [tilespmem:v7+s17+$0x0], $0xffff;
	[tilespmem:s31+$0xC0] =	vst v16  }
0x59: {  	s0 =	sadd.s32 $0x80, s0;
	v10 =	vor.u32 $0x80, v1;
	v16 =	vld.idx.msk [tilespmem:v6+s17+$0x0], $0xffff;
	[tilespmem:s31+$0xE0] =	vst v23;
	s31 =	smov.u32 s1  }
0x5a: {  	_ =	sdelay $0x2  }
0x5b: {  	[tilespmem:s31+$0xFFFFFF40] =	vst v13  }
0x5c: {  	v13 =	vld.idx.msk [tilespmem:v3+s17+$0x0], $0xffff;
	[tilespmem:s31+$0xFFFFFF50] =	vst v17  }
0x5d: {  	v17 =	vld.idx.msk [tilespmem:v20+s17+$0x0], $0xffff;
	v20 =	vor.u32 $0x100, v4;
	[tilespmem:s31+$0xFFFFFF60] =	vst v9  }
0x5e: {  	v12 =	vld.idx.msk [tilespmem:v12+s17+$0x0], $0xffff;
	[tilespmem:s31+$0xFFFFFF80] =	vst v18  }
0x5f: {  	v18 =	vor.u32 $0x80, v6;
	v9 =	vld.idx.msk [tilespmem:v10+s17+$0x0], $0xffff;
	[tilespmem:s31+$0xFFFFFF10] =	vst v19  }
0x60: {  	[tilespmem:s31+$0xFFFFFF20] =	vst v11;
	v11 =	vld.idx.msk [tilespmem:v14+s17+$0x0], $0xffff  }
0x61: {  	[tilespmem:s31+$0xFFFFFF70] =	vst v13;
	v13 =	vld.idx.msk [tilespmem:v15+s17+$0x0], $0xffff  }
0x62: {  	v14 =	vor.u32 $0x100, v5;
	[tilespmem:s31+$0xFFFFFFC0] =	vst v17;
	v17 =	vld.idx.msk [tilespmem:v20+s17+$0x0], $0xffff  }
0x63: {  	v10 =	vor.u32 $0x100, v2;
	[tilespmem:s31+$0xFFFFFF30] =	vst v16;
	v8 =	vld.idx.msk [tilespmem:v8+s17+$0x0], $0xffff  }
0x64: {  	v16 =	vor.u32 $0x100, v7;
	[tilespmem:s31+$0xFFFFFFD0] =	vst v12;
	v15 =	vld.idx.msk [tilespmem:v18+s17+$0x0], $0xffff  }
0x65: {  	v4 =	vor.u32 $0x180, v4;
	[tilespmem:s31+$0xFFFFFF90] =	vst v11  }
0x66: {  	v12 =	vor.u32 $0x100, v6;
	[tilespmem:s31+$0xFFFFFFA0] =	vst v13  }
0x67: {  	v11 =	vld.idx.msk [tilespmem:v14+s17+$0x0], $0xffff;
	v14 =	vor.u32 $0x100, v1;
	[tilespmem:s31+$0x0] =	vst v17  }
0x68: {  	v13 =	vor.u32 $0x100, v3;
	[tilespmem:s31+$0xFFFFFFF0] =	vst v8;
	v8 =	vld.idx.msk [tilespmem:v10+s17+$0x0], $0xffff  }
0x69: {  	v5 =	vor.u32 $0x180, v5;
	[tilespmem:s31+$0xFFFFFFB0] =	vst v15;
	v15 =	vld.idx.msk [tilespmem:v16+s17+$0x0], $0xffff  }
0x6a: {  	v16 =	vor.u32 $0x100, v0;
	v4 =	vld.idx.msk [tilespmem:v4+s17+$0x0], $0xffff  }
0x6b: {  	v2 =	vor.u32 $0x180, v2;
	[tilespmem:s31+$0xFFFFFFE0] =	vst v9;
	v12 =	vld.idx.msk [tilespmem:v12+s17+$0x0], $0xffff  }
0x6c: {  	v7 =	vor.u32 $0x180, v7;
	[tilespmem:s31+$0x50] =	vst v11;
	v10 =	vld.idx.msk [tilespmem:v14+s17+$0x0], $0xffff  }
0x6d: {  	v6 =	vor.u32 $0x180, v6;
	v9 =	vld.idx.msk [tilespmem:v13+s17+$0x0], $0xffff;
	[tilespmem:s31+$0x20] =	vst v8  }
0x6e: {  	v1 =	vor.u32 $0x180, v1;
	v5 =	vld.idx.msk [tilespmem:v5+s17+$0x0], $0xffff;
	[tilespmem:s31+$0x10] =	vst v15  }
0x6f: {  	v3 =	vor.u32 $0x180, v3;
	v11 =	vld.idx.msk [tilespmem:v16+s17+$0x0], $0xffff;
	[tilespmem:s31+$0x80] =	vst v4  }
0x70: {  	v0 =	vor.u32 $0x180, v0;
	v2 =	vld.idx.msk [tilespmem:v2+s17+$0x0], $0xffff;
	[tilespmem:s31+$0x30] =	vst v12  }
0x71: {  	v7 =	vld.idx.msk [tilespmem:v7+s17+$0x0], $0xffff;
	[tilespmem:s31+$0x60] =	vst v10  }
0x72: {  	v4 =	vld.idx.msk [tilespmem:v6+s17+$0x0], $0xffff;
	[tilespmem:s31+$0x70] =	vst v9  }
0x73: {  	v1 =	vld.idx.msk [tilespmem:v1+s17+$0x0], $0xffff;
	[tilespmem:s31+$0xD0] =	vst v5  }
0x74: {  	v3 =	vld.idx.msk [tilespmem:v3+s17+$0x0], $0xffff;
	[tilespmem:s31+$0x40] =	vst v11  }
0x75: {  	[tilespmem:s31+$0xA0] =	vst v2;
	v0 =	vld.idx.msk [tilespmem:v0+s17+$0x0], $0xffff  }
0x76: {  	[tilespmem:s31+$0x90] =	vst v7  }
0x77: {  	[tilespmem:s31+$0xB0] =	vst v4  }
0x78: {  	s28 =	sshll.u32 s26, $0x12;
	[tilespmem:s31+$0xE0] =	vst v1  }
0x79: {  	s30 =	sor.u32 s5, s28;
	[tilespmem:s31+$0xF0] =	vst v3  }
0x7a: {  	s0 =	sadd.s32 s30, s8;
	[tilespmem:s31+$0xC0] =	vst v0  }
0x7b: {  	[tilespmem:s17], [sflag:$0x1] =	stream.strided.gather [hbm4b:s0+s15], $0x4000, s16, s15, $0x38;
	[tilespmem:$0x19000] =	vst v63  }
0x7c: {  	_ =	swait.ge [sflag:s20], $0x4000  }
0x7d: {  	[sflag:s20] =	ssyncset.done $0x0  }
0x7e: {  	s2 =	simm.s32 $0x40;
	[sflag:s20] =	ssyncadd.s32 $0xFFFFC000  }
0x7f: {  	v0 =	vld [tilespmem:s2+$0xFFFFFFC0]  }
0x80: {  	v1 =	vld [tilespmem:s2+$0x10]  }
0x81: {  	v3 =	vld [tilespmem:s2+$0xFFFFFFE0]  }
0x82: {  	v2 =	vld [tilespmem:s2+$0x0];
	_ =	sdelay $0x1  }
0x83: {  	v6 =	vld [tilespmem:s2+$0x20]  }
0x84: {  	v7 =	vld [tilespmem:s2+$0xFFFFFFF0];
	v4 =	vshll.u32 v0, $0x2;
	v0 =	vand.u32 $0x7F, v0;
	v5 =	vshll.u32 v1, $0x2  }
0x85: {  	v1 =	vand.u32 $0x7F, v1;
	v9 =	vshll.u32 v3, $0x2;
	v4 =	vand.u32 $0xFFFFFE00, v4  }
0x86: {  	v8 =	vld [tilespmem:s2+$0xFFFFFFD0];
	v3 =	vand.u32 $0x7F, v3;
	v4 =	vor.u32 v0, v4;
	v0 =	vshll.u32 v2, $0x2  }
0x87: {  	v5 =	vand.u32 $0xFFFFFE00, v5;
	v2 =	vand.u32 $0x7F, v2;
	v0 =	vand.u32 $0xFFFFFE00, v0  }
0x88: {  	v5 =	vor.u32 v1, v5;
	v0 =	vor.u32 v2, v0;
	v2 =	vand.u32 $0xFFFFFE00, v9;
	v9 =	vld [tilespmem:s2+$0x30]  }
0x89: {  	v11 =	vand.u32 $0x7F, v7;
	v2 =	vor.u32 v3, v2;
	v3 =	vshll.u32 v6, $0x2  }
0x8a: {  	v1 =	vand.u32 $0x7F, v6;
	v12 =	vor.u32 $0x80, v4;
	v3 =	vand.u32 $0xFFFFFE00, v3  }
0x8b: {  	v6 =	vshll.u32 v7, $0x2;
	v10 =	vld.idx.msk [tilespmem:v4+s18+$0x0], $0xffff;
	v1 =	vor.u32 v1, v3;
	v3 =	vshll.u32 v8, $0x2  }
0x8c: {  	v6 =	vand.u32 $0xFFFFFE00, v6;
	v8 =	vand.u32 $0x7F, v8;
	v3 =	vand.u32 $0xFFFFFE00, v3  }
0x8d: {  	v6 =	vor.u32 v11, v6;
	v17 =	vld.idx.msk [tilespmem:v5+s18+$0x0], $0xffff;
	v7 =	vor.u32 v8, v3;
	v3 =	vshll.u32 v9, $0x2  }
0x8e: {  	v13 =	vld.idx.msk [tilespmem:v0+s18+$0x0], $0xffff;
	v8 =	vand.u32 $0x7F, v9;
	v3 =	vand.u32 $0xFFFFFE00, v3  }
0x8f: {  	s31 =	simm.s32 $0x93F0;
	v11 =	vld.idx.msk [tilespmem:v2+s18+$0x0], $0xffff;
	v3 =	vor.u32 v8, v3  }
0x90: {  	v20 =	vor.u32 $0x80, v0;
	[tilespmem:s31+$0xFFFFFE10] =	vst v10;
	v10 =	vld.idx.msk [tilespmem:v1+s18+$0x0], $0xffff  }
0x91: {  	v18 =	vld.idx.msk [tilespmem:v12+s18+$0x0], $0xffff;
	v12 =	vor.u32 $0x80, v5  }
0x92: {  	v15 =	vor.u32 $0x80, v2;
	v16 =	vld.idx.msk [tilespmem:v6+s18+$0x0], $0xffff  }
0x93: {  	s1 =	simm.s32 $0xC0;
	s0 =	simm.s32 $0x0;
	s2 =	simm.s32 $0x93F0;
	v9 =	vor.u32 $0x80, v1;
	v14 =	vor.u32 $0x80, v7;
	v8 =	vor.u32 $0x80, v3;
	v19 =	vld.idx.msk [tilespmem:v7+s18+$0x0], $0xffff  }
.LBB2_5:
0x94: {  	s0 =	sadd.s32 $0x8, s0;
	[tilespmem:s31+$0xFFFFFE50] =	vst v13;
	v13 =	vld.idx.msk [tilespmem:v3+s18+$0x0], $0xffff;
	s2 =	sadd.s32 $0x400, s2  }
0x95: {  	p1 =	slt.u32 s0, $0xF8;
	v20 =	vld.idx.msk [tilespmem:v20+s18+$0x0], $0xffff;
	[tilespmem:s31+$0xFFFFFE60] =	vst v17  }
0x96: {  	v17 =	vor.u32 $0x100, v4;
	v12 =	vld.idx.msk [tilespmem:v12+s18+$0x0], $0xffff  }
0x97: {  	v21 =	vld [tilespmem:s1+$0x10];
	[tilespmem:s31+$0xFFFFFE90] =	vst v18  }
0x98: {  	v18 =	vld [tilespmem:s1+$0xFFFFFFE0];
	[tilespmem:s31+$0xFFFFFE20] =	vst v19;
	v19 =	vor.u32 $0x80, v6  }
0x99: {  	v14 =	vld.idx.msk [tilespmem:v14+s18+$0x0], $0xffff;
	[tilespmem:s31+$0xFFFFFE30] =	vst v11  }
0x9a: {  	v11 =	vld.idx.msk [tilespmem:v15+s18+$0x0], $0xffff;
	[tilespmem:s31+$0xFFFFFE80] =	vst v13  }
0x9b: {  	v13 =	vld.idx.msk [tilespmem:v17+s18+$0x0], $0xffff;
	[tilespmem:s31+$0xFFFFFED0] =	vst v20  }
0x9c: {  	v15 =	vld [tilespmem:s1+$0xFFFFFFF0];
	[tilespmem:s31+$0xFFFFFE40] =	vst v16  }
0x9d: {  	v16 =	vld.idx.msk [tilespmem:v19+s18+$0x0], $0xffff;
	[tilespmem:s31+$0xFFFFFEE0] =	vst v12  }
0x9e: {  	v12 =	vld [tilespmem:s1+$0xFFFFFFC0];
	[tilespmem:s31+$0xFFFFFE70] =	vst v10  }
0x9f: {  	[tilespmem:s31+$0xFFFFFEA0] =	vst v14;
	v8 =	vld.idx.msk [tilespmem:v8+s18+$0x0], $0xffff  }
0xa0: {  	v10 =	vld [tilespmem:s1+$0x20];
	[tilespmem:s31+$0xFFFFFEB0] =	vst v11;
	v11 =	vor.u32 $0x100, v5  }
0xa1: {  	v14 =	vld [tilespmem:s1+$0x30];
	[tilespmem:s31+$0xFFFFFF10] =	vst v13;
	v13 =	vor.u32 $0x100, v7  }
0xa2: {  	v19 =	vor.u32 $0x100, v6;
	v17 =	vld [tilespmem:s1+$0xFFFFFFD0]  }
0xa3: {  	v20 =	vor.u32 $0x180, v4;
	[tilespmem:s31+$0xFFFFFEC0] =	vst v16;
	v9 =	vld.idx.msk [tilespmem:v9+s18+$0x0], $0xffff  }
0xa4: {  	v22 =	vor.u32 $0x100, v2;
	v23 =	vor.u32 $0x180, v5;
	v5 =	vor.u32 $0x100, v1;
	v16 =	vld [tilespmem:s1+$0x0]  }
0xa5: {  	v24 =	vor.u32 $0x100, v0;
	v4 =	vshll.u32 v12, $0x2;
	v11 =	vld.idx.msk [tilespmem:v11+s18+$0x0], $0xffff;
	[tilespmem:s31+$0xFFFFFF00] =	vst v8;
	v8 =	vor.u32 $0x100, v3  }
0xa6: {  	v4 =	vand.u32 $0xFFFFFE00, v4;
	v25 =	vand.u32 $0x7F, v14;
	v14 =	vshll.u32 v14, $0x2;
	v13 =	vld.idx.msk [tilespmem:v13+s18+$0x0], $0xffff  }
0xa7: {  	v6 =	vor.u32 $0x180, v6;
	v12 =	vand.u32 $0x7F, v12;
	v14 =	vand.u32 $0xFFFFFE00, v14;
	v19 =	vld.idx.msk [tilespmem:v19+s18+$0x0], $0xffff  }
0xa8: {  	v7 =	vor.u32 $0x180, v7;
	v4 =	vor.u32 v12, v4;
	v12 =	vshll.u32 v21, $0x2;
	v20 =	vld.idx.msk [tilespmem:v20+s18+$0x0], $0xffff  }
0xa9: {  	v26 =	vshll.u32 v15, $0x2;
	v14 =	vor.u32 v25, v14;
	v27 =	vshll.u32 v16, $0x2;
	v22 =	vld.idx.msk [tilespmem:v22+s18+$0x0], $0xffff;
	[tilespmem:s31+$0xFFFFFEF0] =	vst v9  }
0xaa: {  	v21 =	vand.u32 $0x7F, v21;
	v9 =	vand.u32 $0xFFFFFE00, v26;
	v16 =	vand.u32 $0x7F, v16;
	v25 =	vld.idx.msk [tilespmem:v5+s18+$0x0], $0xffff  }
0xab: {  	v12 =	vand.u32 $0xFFFFFE00, v12;
	v26 =	vor.u32 $0x180, v2;
	v5 =	vand.u32 $0xFFFFFE00, v27;
	[tilespmem:s31+$0xFFFFFF60] =	vst v11;
	v8 =	vld.idx.msk [tilespmem:v8+s18+$0x0], $0xffff  }
0xac: {  	v2 =	vshll.u32 v18, $0x2;
	v11 =	vor.u32 v16, v5;
	v5 =	vor.u32 v21, v12;
	[tilespmem:s31+$0xFFFFFF20] =	vst v13;
	v12 =	vld.idx.msk [tilespmem:v24+s18+$0x0], $0xffff  }
0xad: {  	v2 =	vand.u32 $0xFFFFFE00, v2;
	v13 =	vor.u32 $0x180, v3;
	v3 =	vmov v14;
	v7 =	vld.idx.msk [tilespmem:v7+s18+$0x0], $0xffff;
	[tilespmem:s31+$0xFFFFFF40] =	vst v19  }
0xae: {  	v14 =	vand.u32 $0x7F, v18;
	v18 =	vor.u32 $0x180, v0;
	v0 =	vmovc v11;
	v19 =	vor.u32 $0x180, v1;
	[tilespmem:s31+$0xFFFFFF90] =	vst v20;
	v16 =	vld.idx.msk [tilespmem:v6+s18+$0x0], $0xffff  }
0xaf: {  	v21 =	vor.u32 $0x80, v4;
	v2 =	vor.u32 v14, v2;
	v1 =	vand.u32 $0x7F, v15;
	[tilespmem:s31+$0xFFFFFF30] =	vst v22;
	v11 =	vld.idx.msk [tilespmem:v23+s18+$0x0], $0xffff  }
0xb0: {  	v6 =	vor.u32 v1, v9;
	v1 =	vshll.u32 v10, $0x2;
	v9 =	vld.idx.msk [tilespmem:v26+s18+$0x0], $0xffff;
	[tilespmem:s31+$0xFFFFFF70] =	vst v25  }
0xb1: {  	v10 =	vand.u32 $0x7F, v10;
	v1 =	vand.u32 $0xFFFFFE00, v1;
	v15 =	vld.idx.msk [tilespmem:v4+s18+$0x0], $0xffff;
	[tilespmem:s31+$0xFFFFFF80] =	vst v8  }
0xb2: {  	v1 =	vor.u32 v10, v1;
	[tilespmem:s31+$0xFFFFFF50] =	vst v12;
	v22 =	vld.idx.msk [tilespmem:v13+s18+$0x0], $0xffff  }
0xb3: {  	v8 =	vshll.u32 v17, $0x2;
	v12 =	vor.u32 $0x80, v5;
	v13 =	vld.idx.msk [tilespmem:v0+s18+$0x0], $0xffff;
	[tilespmem:s31+$0xFFFFFFA0] =	vst v7  }
0xb4: {  	v10 =	vand.u32 $0xFFFFFE00, v8;
	v8 =	vor.u32 $0x80, v3;
	v7 =	vand.u32 $0x7F, v17;
	[tilespmem:s31+$0xFFFFFFC0] =	vst v16;
	v16 =	vld.idx.msk [tilespmem:v18+s18+$0x0], $0xffff  }
0xb5: {  	v7 =	vor.u32 v7, v10;
	[tilespmem:s31+$0xFFFFFFE0] =	vst v11;
	v23 =	vld.idx.msk [tilespmem:v19+s18+$0x0], $0xffff  }
0xb6: {  	v14 =	vor.u32 $0x80, v7;
	v11 =	vld.idx.msk [tilespmem:v2+s18+$0x0], $0xffff  }
.Ltmp1:
0xb7: {  	[tilespmem:s2+$0xFFFFFE10] =	vst v15;
	v15 =	vor.u32 $0x80, v2;
	v17 =	vld.idx.msk [tilespmem:v5+s18+$0x0], $0xffff;
	(pc) =	sbr.rel @p1 .LBB2_5-.Ltmp1, $4  }
0xb8: {  	v20 =	vor.u32 $0x80, v0;
	v10 =	vld.idx.msk [tilespmem:v1+s18+$0x0], $0xffff;
	[tilespmem:s31+$0x0] =	vst v22  }
0xb9: {  	v18 =	vld.idx.msk [tilespmem:v21+s18+$0x0], $0xffff;
	[tilespmem:s31+$0xFFFFFFB0] =	vst v9  }
0xba: {  	v19 =	vld.idx.msk [tilespmem:v7+s18+$0x0], $0xffff;
	[tilespmem:s31+$0xFFFFFFD0] =	vst v16  }
0xbb: {  	s1 =	sadd.s32 $0x80, s1;
	v9 =	vor.u32 $0x80, v1;
	v16 =	vld.idx.msk [tilespmem:v6+s18+$0x0], $0xffff;
	[tilespmem:s31+$0xFFFFFFF0] =	vst v23;
	s31 =	smov.u32 s2  }
0xbc: {  	_ =	sdelay $0x2  }
0xbd: {  	[tilespmem:s31+$0xFFFFFE50] =	vst v13  }
0xbe: {  	v13 =	vld.idx.msk [tilespmem:v3+s18+$0x0], $0xffff;
	[tilespmem:s31+$0xFFFFFE60] =	vst v17  }
0xbf: {  	[tilespmem:s31+$0xFFFFFE30] =	vst v11;
	v17 =	vld.idx.msk [tilespmem:v20+s18+$0x0], $0xffff;
	v20 =	vor.u32 $0x100, v4  }
0xc0: {  	[tilespmem:s31+$0xFFFFFE90] =	vst v18  }
0xc1: {  	v12 =	vld.idx.msk [tilespmem:v12+s18+$0x0], $0xffff;
	v18 =	vor.u32 $0x80, v6;
	[tilespmem:s31+$0xFFFFFE20] =	vst v19  }
0xc2: {  	[tilespmem:s31+$0xFFFFFE70] =	vst v10;
	v11 =	vld.idx.msk [tilespmem:v14+s18+$0x0], $0xffff  }
0xc3: {  	[tilespmem:s31+$0xFFFFFE80] =	vst v13;
	v13 =	vld.idx.msk [tilespmem:v15+s18+$0x0], $0xffff  }
0xc4: {  	v14 =	vor.u32 $0x100, v5;
	[tilespmem:s31+$0xFFFFFED0] =	vst v17;
	v17 =	vld.idx.msk [tilespmem:v20+s18+$0x0], $0xffff  }
0xc5: {  	v10 =	vor.u32 $0x100, v2;
	[tilespmem:s31+$0xFFFFFE40] =	vst v16;
	v8 =	vld.idx.msk [tilespmem:v8+s18+$0x0], $0xffff  }
0xc6: {  	v16 =	vor.u32 $0x100, v7;
	[tilespmem:s31+$0xFFFFFEE0] =	vst v12;
	v15 =	vld.idx.msk [tilespmem:v18+s18+$0x0], $0xffff  }
0xc7: {  	v4 =	vor.u32 $0x180, v4;
	[tilespmem:s31+$0xFFFFFEA0] =	vst v11  }
0xc8: {  	v9 =	vld.idx.msk [tilespmem:v9+s18+$0x0], $0xffff;
	v12 =	vor.u32 $0x100, v6;
	[tilespmem:s31+$0xFFFFFEB0] =	vst v13  }
0xc9: {  	v11 =	vld.idx.msk [tilespmem:v14+s18+$0x0], $0xffff;
	v14 =	vor.u32 $0x100, v1;
	[tilespmem:s31+$0xFFFFFF10] =	vst v17  }
0xca: {  	v13 =	vor.u32 $0x100, v3;
	[tilespmem:s31+$0xFFFFFF00] =	vst v8;
	v8 =	vld.idx.msk [tilespmem:v10+s18+$0x0], $0xffff  }
0xcb: {  	v5 =	vor.u32 $0x180, v5;
	[tilespmem:s31+$0xFFFFFEC0] =	vst v15;
	v15 =	vld.idx.msk [tilespmem:v16+s18+$0x0], $0xffff  }
0xcc: {  	v16 =	vor.u32 $0x100, v0;
	v4 =	vld.idx.msk [tilespmem:v4+s18+$0x0], $0xffff  }
0xcd: {  	v2 =	vor.u32 $0x180, v2;
	[tilespmem:s31+$0xFFFFFEF0] =	vst v9;
	v12 =	vld.idx.msk [tilespmem:v12+s18+$0x0], $0xffff  }
0xce: {  	v7 =	vor.u32 $0x180, v7;
	[tilespmem:s31+$0xFFFFFF60] =	vst v11;
	v10 =	vld.idx.msk [tilespmem:v14+s18+$0x0], $0xffff  }
0xcf: {  	v6 =	vor.u32 $0x180, v6;
	v9 =	vld.idx.msk [tilespmem:v13+s18+$0x0], $0xffff;
	[tilespmem:s31+$0xFFFFFF30] =	vst v8  }
0xd0: {  	v1 =	vor.u32 $0x180, v1;
	v5 =	vld.idx.msk [tilespmem:v5+s18+$0x0], $0xffff;
	[tilespmem:s31+$0xFFFFFF20] =	vst v15  }
0xd1: {  	v3 =	vor.u32 $0x180, v3;
	v11 =	vld.idx.msk [tilespmem:v16+s18+$0x0], $0xffff;
	[tilespmem:s31+$0xFFFFFF90] =	vst v4  }
0xd2: {  	v0 =	vor.u32 $0x180, v0;
	v2 =	vld.idx.msk [tilespmem:v2+s18+$0x0], $0xffff;
	[tilespmem:s31+$0xFFFFFF40] =	vst v12  }
0xd3: {  	v7 =	vld.idx.msk [tilespmem:v7+s18+$0x0], $0xffff;
	[tilespmem:s31+$0xFFFFFF70] =	vst v10  }
0xd4: {  	v4 =	vld.idx.msk [tilespmem:v6+s18+$0x0], $0xffff;
	[tilespmem:s31+$0xFFFFFF80] =	vst v9  }
0xd5: {  	v1 =	vld.idx.msk [tilespmem:v1+s18+$0x0], $0xffff;
	[tilespmem:s31+$0xFFFFFFE0] =	vst v5  }
0xd6: {  	v3 =	vld.idx.msk [tilespmem:v3+s18+$0x0], $0xffff;
	[tilespmem:s31+$0xFFFFFF50] =	vst v11  }
0xd7: {  	[tilespmem:s31+$0xFFFFFFB0] =	vst v2;
	v0 =	vld.idx.msk [tilespmem:v0+s18+$0x0], $0xffff  }
0xd8: {  	[tilespmem:s31+$0xFFFFFFA0] =	vst v7  }
0xd9: {  	[tilespmem:s31+$0xFFFFFFC0] =	vst v4  }
0xda: {  	[tilespmem:s31+$0xFFFFFFF0] =	vst v1  }
0xdb: {  	[tilespmem:s31+$0x0] =	vst v3  }
0xdc: {  	s0 =	sadd.s32 s30, s9;
	[tilespmem:s31+$0xFFFFFFD0] =	vst v0  }
0xdd: {  	[tilespmem:s18], [sflag:$0x2] =	stream.strided.gather [hbm4b:s0+s15], $0x4000, s16, s15, $0x38;
	[tilespmem:$0x19000] =	vst v63  }
0xde: {  	s2 =	sadd.s32 s3, s30;
	s0 =	simm.s32 @!p0 $0x4  }
0xdf: {  	[hbm4b:s2+s4] =	stream.linear.scatter [tilespmem:s21], [sflag:$0x3], $0x8000, $0x38;
	[tilespmem:$0x19000] =	vst v63  }
0xe0: {  	_ =	swait.ge @!p0 [sflag:s0], $0x8000  }
0xe1: {  	[sflag:s0] =	ssyncset.done @!p0 $0x0  }
0xe2: {  	[sflag:s0] =	ssyncadd.s32 @!p0 $0xFFFF8000  }
0xe3: {  	_ =	swait.ge [sflag:s19], $0x4000  }
0xe4: {  	[sflag:s19] =	ssyncset.done $0x0  }
0xe5: {  	s31 =	simm.s32 $0x40;
	[sflag:s19] =	ssyncadd.s32 $0xFFFFC000  }
0xe6: {  	v0 =	vld [tilespmem:s31+$0xFFFFFFC0]  }
0xe7: {  	v1 =	vld [tilespmem:s31+$0x10]  }
0xe8: {  	v3 =	vld [tilespmem:s31+$0xFFFFFFE0]  }
0xe9: {  	v2 =	vld [tilespmem:s31+$0x0];
	_ =	sdelay $0x1  }
0xea: {  	v6 =	vld [tilespmem:s31+$0x20]  }
0xeb: {  	v7 =	vld [tilespmem:s31+$0xFFFFFFF0];
	v4 =	vshll.u32 v0, $0x2;
	v0 =	vand.u32 $0x7F, v0;
	v5 =	vshll.u32 v1, $0x2  }
0xec: {  	v1 =	vand.u32 $0x7F, v1;
	v9 =	vshll.u32 v3, $0x2;
	v4 =	vand.u32 $0xFFFFFE00, v4  }
0xed: {  	v8 =	vld [tilespmem:s31+$0xFFFFFFD0];
	v3 =	vand.u32 $0x7F, v3;
	v4 =	vor.u32 v0, v4;
	v0 =	vshll.u32 v2, $0x2  }
0xee: {  	v5 =	vand.u32 $0xFFFFFE00, v5;
	v2 =	vand.u32 $0x7F, v2;
	v0 =	vand.u32 $0xFFFFFE00, v0  }
0xef: {  	v5 =	vor.u32 v1, v5;
	v0 =	vor.u32 v2, v0;
	v2 =	vand.u32 $0xFFFFFE00, v9;
	v9 =	vld [tilespmem:s31+$0x30]  }
0xf0: {  	v11 =	vand.u32 $0x7F, v7;
	v2 =	vor.u32 v3, v2;
	v3 =	vshll.u32 v6, $0x2  }
0xf1: {  	v1 =	vand.u32 $0x7F, v6;
	v12 =	vor.u32 $0x80, v4;
	v3 =	vand.u32 $0xFFFFFE00, v3  }
0xf2: {  	v6 =	vshll.u32 v7, $0x2;
	v10 =	vld.idx.msk [tilespmem:v4+s17+$0x0], $0xffff;
	v1 =	vor.u32 v1, v3;
	v3 =	vshll.u32 v8, $0x2  }
0xf3: {  	v6 =	vand.u32 $0xFFFFFE00, v6;
	v8 =	vand.u32 $0x7F, v8;
	v3 =	vand.u32 $0xFFFFFE00, v3  }
0xf4: {  	v6 =	vor.u32 v11, v6;
	v17 =	vld.idx.msk [tilespmem:v5+s17+$0x0], $0xffff;
	v7 =	vor.u32 v8, v3;
	v3 =	vshll.u32 v9, $0x2  }
0xf5: {  	v13 =	vld.idx.msk [tilespmem:v0+s17+$0x0], $0xffff;
	v8 =	vand.u32 $0x7F, v9;
	v3 =	vand.u32 $0xFFFFFE00, v3  }
0xf6: {  	s30 =	simm.s32 $0x11100;
	v11 =	vld.idx.msk [tilespmem:v2+s17+$0x0], $0xffff;
	v3 =	vor.u32 v8, v3  }
0xf7: {  	v20 =	vor.u32 $0x80, v0;
	[tilespmem:s30+$0xFFFFFF00] =	vst v10;
	v9 =	vld.idx.msk [tilespmem:v1+s17+$0x0], $0xffff  }
0xf8: {  	v18 =	vld.idx.msk [tilespmem:v12+s17+$0x0], $0xffff;
	v12 =	vor.u32 $0x80, v5  }
0xf9: {  	s29 =	sor.u32 $0x1, s29;
	v15 =	vor.u32 $0x80, v2;
	v16 =	vld.idx.msk [tilespmem:v6+s17+$0x0], $0xffff  }
0xfa: {  	s1 =	simm.s32 $0xC0;
	s2 =	simm.s32 $0x11100;
	s0 =	simm.s32 $0x0;
	v14 =	vor.u32 $0x80, v7;
	v8 =	vor.u32 $0x80, v3;
	v10 =	vor.u32 $0x80, v1;
	v19 =	vld.idx.msk [tilespmem:v7+s17+$0x0], $0xffff  }
.LBB2_7:
0xfb: {  	s0 =	sadd.s32 $0x8, s0;
	[tilespmem:s30+$0xFFFFFF40] =	vst v13;
	v13 =	vld.idx.msk [tilespmem:v3+s17+$0x0], $0xffff;
	s2 =	sadd.s32 $0x400, s2  }
0xfc: {  	p0 =	slt.u32 s0, $0xF8;
	v20 =	vld.idx.msk [tilespmem:v20+s17+$0x0], $0xffff;
	[tilespmem:s30+$0xFFFFFF50] =	vst v17  }
0xfd: {  	v17 =	vor.u32 $0x100, v4;
	v12 =	vld.idx.msk [tilespmem:v12+s17+$0x0], $0xffff  }
0xfe: {  	v21 =	vld [tilespmem:s1+$0x10];
	[tilespmem:s30+$0xFFFFFF80] =	vst v18  }
0xff: {  	v18 =	vld [tilespmem:s1+$0xFFFFFFE0];
	[tilespmem:s30+$0xFFFFFF10] =	vst v19;
	v19 =	vor.u32 $0x80, v6  }
0x100: {  	v14 =	vld.idx.msk [tilespmem:v14+s17+$0x0], $0xffff;
	[tilespmem:s30+$0xFFFFFF20] =	vst v11  }
0x101: {  	v11 =	vld.idx.msk [tilespmem:v15+s17+$0x0], $0xffff;
	[tilespmem:s30+$0xFFFFFF70] =	vst v13  }
0x102: {  	v13 =	vld.idx.msk [tilespmem:v17+s17+$0x0], $0xffff;
	[tilespmem:s30+$0xFFFFFFC0] =	vst v20  }
0x103: {  	v15 =	vld [tilespmem:s1+$0xFFFFFFF0];
	[tilespmem:s30+$0xFFFFFF30] =	vst v16  }
0x104: {  	v16 =	vld.idx.msk [tilespmem:v19+s17+$0x0], $0xffff;
	[tilespmem:s30+$0xFFFFFFD0] =	vst v12  }
0x105: {  	v12 =	vld [tilespmem:s1+$0xFFFFFFC0];
	[tilespmem:s30+$0xFFFFFF60] =	vst v9  }
0x106: {  	[tilespmem:s30+$0xFFFFFF90] =	vst v14;
	v8 =	vld.idx.msk [tilespmem:v8+s17+$0x0], $0xffff  }
0x107: {  	v9 =	vld [tilespmem:s1+$0x20];
	[tilespmem:s30+$0xFFFFFFA0] =	vst v11;
	v11 =	vor.u32 $0x100, v5  }
0x108: {  	v14 =	vld [tilespmem:s1+$0x30];
	[tilespmem:s30+$0x0] =	vst v13;
	v13 =	vor.u32 $0x100, v7  }
0x109: {  	v19 =	vor.u32 $0x100, v6;
	v17 =	vld [tilespmem:s1+$0xFFFFFFD0]  }
0x10a: {  	v20 =	vor.u32 $0x180, v4;
	[tilespmem:s30+$0xFFFFFFB0] =	vst v16;
	v10 =	vld.idx.msk [tilespmem:v10+s17+$0x0], $0xffff  }
0x10b: {  	v22 =	vor.u32 $0x100, v2;
	v23 =	vor.u32 $0x180, v5;
	v5 =	vor.u32 $0x100, v1;
	v16 =	vld [tilespmem:s1+$0x0]  }
0x10c: {  	v24 =	vor.u32 $0x100, v0;
	v4 =	vshll.u32 v12, $0x2;
	v11 =	vld.idx.msk [tilespmem:v11+s17+$0x0], $0xffff;
	[tilespmem:s30+$0xFFFFFFF0] =	vst v8;
	v8 =	vor.u32 $0x100, v3  }
0x10d: {  	v4 =	vand.u32 $0xFFFFFE00, v4;
	v25 =	vand.u32 $0x7F, v14;
	v14 =	vshll.u32 v14, $0x2;
	v13 =	vld.idx.msk [tilespmem:v13+s17+$0x0], $0xffff  }
0x10e: {  	v6 =	vor.u32 $0x180, v6;
	v12 =	vand.u32 $0x7F, v12;
	v14 =	vand.u32 $0xFFFFFE00, v14;
	v19 =	vld.idx.msk [tilespmem:v19+s17+$0x0], $0xffff  }
0x10f: {  	v7 =	vor.u32 $0x180, v7;
	v4 =	vor.u32 v12, v4;
	v12 =	vshll.u32 v21, $0x2;
	v20 =	vld.idx.msk [tilespmem:v20+s17+$0x0], $0xffff  }
0x110: {  	v26 =	vshll.u32 v15, $0x2;
	v14 =	vor.u32 v25, v14;
	v27 =	vshll.u32 v16, $0x2;
	v22 =	vld.idx.msk [tilespmem:v22+s17+$0x0], $0xffff;
	[tilespmem:s30+$0xFFFFFFE0] =	vst v10  }
0x111: {  	v21 =	vand.u32 $0x7F, v21;
	v10 =	vand.u32 $0xFFFFFE00, v26;
	v16 =	vand.u32 $0x7F, v16;
	v25 =	vld.idx.msk [tilespmem:v5+s17+$0x0], $0xffff  }
0x112: {  	v12 =	vand.u32 $0xFFFFFE00, v12;
	v26 =	vor.u32 $0x180, v2;
	v5 =	vand.u32 $0xFFFFFE00, v27;
	[tilespmem:s30+$0x50] =	vst v11;
	v8 =	vld.idx.msk [tilespmem:v8+s17+$0x0], $0xffff  }
0x113: {  	v2 =	vshll.u32 v18, $0x2;
	v11 =	vor.u32 v16, v5;
	v5 =	vor.u32 v21, v12;
	[tilespmem:s30+$0x10] =	vst v13;
	v12 =	vld.idx.msk [tilespmem:v24+s17+$0x0], $0xffff  }
0x114: {  	v2 =	vand.u32 $0xFFFFFE00, v2;
	v13 =	vor.u32 $0x180, v3;
	v3 =	vmov v14;
	v7 =	vld.idx.msk [tilespmem:v7+s17+$0x0], $0xffff;
	[tilespmem:s30+$0x30] =	vst v19  }
0x115: {  	v14 =	vand.u32 $0x7F, v18;
	v18 =	vor.u32 $0x180, v0;
	v0 =	vmovc v11;
	v19 =	vor.u32 $0x180, v1;
	[tilespmem:s30+$0x80] =	vst v20;
	v16 =	vld.idx.msk [tilespmem:v6+s17+$0x0], $0xffff  }
0x116: {  	v21 =	vor.u32 $0x80, v4;
	v2 =	vor.u32 v14, v2;
	v1 =	vand.u32 $0x7F, v15;
	[tilespmem:s30+$0x20] =	vst v22;
	v11 =	vld.idx.msk [tilespmem:v23+s17+$0x0], $0xffff  }
0x117: {  	v6 =	vor.u32 v1, v10;
	v1 =	vshll.u32 v9, $0x2;
	v10 =	vld.idx.msk [tilespmem:v26+s17+$0x0], $0xffff;
	[tilespmem:s30+$0x60] =	vst v25  }
0x118: {  	v9 =	vand.u32 $0x7F, v9;
	v1 =	vand.u32 $0xFFFFFE00, v1;
	v15 =	vld.idx.msk [tilespmem:v4+s17+$0x0], $0xffff;
	[tilespmem:s30+$0x70] =	vst v8  }
0x119: {  	v1 =	vor.u32 v9, v1;
	[tilespmem:s30+$0x40] =	vst v12;
	v22 =	vld.idx.msk [tilespmem:v13+s17+$0x0], $0xffff  }
0x11a: {  	v8 =	vshll.u32 v17, $0x2;
	v12 =	vor.u32 $0x80, v5;
	v13 =	vld.idx.msk [tilespmem:v0+s17+$0x0], $0xffff;
	[tilespmem:s30+$0x90] =	vst v7  }
0x11b: {  	v9 =	vand.u32 $0xFFFFFE00, v8;
	v8 =	vor.u32 $0x80, v3;
	v7 =	vand.u32 $0x7F, v17;
	[tilespmem:s30+$0xB0] =	vst v16;
	v16 =	vld.idx.msk [tilespmem:v18+s17+$0x0], $0xffff  }
0x11c: {  	v7 =	vor.u32 v7, v9;
	[tilespmem:s30+$0xD0] =	vst v11;
	v23 =	vld.idx.msk [tilespmem:v19+s17+$0x0], $0xffff  }
0x11d: {  	v14 =	vor.u32 $0x80, v7;
	v11 =	vld.idx.msk [tilespmem:v2+s17+$0x0], $0xffff  }
.Ltmp2:
0x11e: {  	[tilespmem:s2+$0xFFFFFF00] =	vst v15;
	v15 =	vor.u32 $0x80, v2;
	v17 =	vld.idx.msk [tilespmem:v5+s17+$0x0], $0xffff;
	(pc) =	sbr.rel @p0 .LBB2_7-.Ltmp2, $4  }
0x11f: {  	v20 =	vor.u32 $0x80, v0;
	v9 =	vld.idx.msk [tilespmem:v1+s17+$0x0], $0xffff;
	[tilespmem:s30+$0xF0] =	vst v22  }
0x120: {  	v18 =	vld.idx.msk [tilespmem:v21+s17+$0x0], $0xffff;
	[tilespmem:s30+$0xA0] =	vst v10  }
0x121: {  	v19 =	vld.idx.msk [tilespmem:v7+s17+$0x0], $0xffff;
	[tilespmem:s30+$0xC0] =	vst v16  }
0x122: {  	s1 =	sadd.s32 $0x80, s1;
	v10 =	vor.u32 $0x80, v1;
	v16 =	vld.idx.msk [tilespmem:v6+s17+$0x0], $0xffff;
	[tilespmem:s30+$0xE0] =	vst v23;
	s30 =	smov.u32 s2  }
0x123: {  	_ =	sdelay $0x2  }
0x124: {  	[tilespmem:s30+$0xFFFFFF40] =	vst v13  }
0x125: {  	v13 =	vld.idx.msk [tilespmem:v3+s17+$0x0], $0xffff;
	[tilespmem:s30+$0xFFFFFF50] =	vst v17  }
0x126: {  	v17 =	vld.idx.msk [tilespmem:v20+s17+$0x0], $0xffff;
	v20 =	vor.u32 $0x100, v4;
	[tilespmem:s30+$0xFFFFFF60] =	vst v9  }
0x127: {  	v12 =	vld.idx.msk [tilespmem:v12+s17+$0x0], $0xffff;
	[tilespmem:s30+$0xFFFFFF80] =	vst v18  }
0x128: {  	v18 =	vor.u32 $0x80, v6;
	v9 =	vld.idx.msk [tilespmem:v10+s17+$0x0], $0xffff;
	[tilespmem:s30+$0xFFFFFF10] =	vst v19  }
0x129: {  	[tilespmem:s30+$0xFFFFFF20] =	vst v11;
	v11 =	vld.idx.msk [tilespmem:v14+s17+$0x0], $0xffff  }
0x12a: {  	[tilespmem:s30+$0xFFFFFF70] =	vst v13;
	v13 =	vld.idx.msk [tilespmem:v15+s17+$0x0], $0xffff  }
0x12b: {  	v14 =	vor.u32 $0x100, v5;
	[tilespmem:s30+$0xFFFFFFC0] =	vst v17;
	v17 =	vld.idx.msk [tilespmem:v20+s17+$0x0], $0xffff  }
0x12c: {  	v10 =	vor.u32 $0x100, v2;
	[tilespmem:s30+$0xFFFFFF30] =	vst v16;
	v8 =	vld.idx.msk [tilespmem:v8+s17+$0x0], $0xffff  }
0x12d: {  	v16 =	vor.u32 $0x100, v7;
	[tilespmem:s30+$0xFFFFFFD0] =	vst v12;
	v15 =	vld.idx.msk [tilespmem:v18+s17+$0x0], $0xffff  }
0x12e: {  	v4 =	vor.u32 $0x180, v4;
	[tilespmem:s30+$0xFFFFFF90] =	vst v11  }
0x12f: {  	v12 =	vor.u32 $0x100, v6;
	[tilespmem:s30+$0xFFFFFFA0] =	vst v13  }
0x130: {  	v11 =	vld.idx.msk [tilespmem:v14+s17+$0x0], $0xffff;
	v14 =	vor.u32 $0x100, v1;
	[tilespmem:s30+$0x0] =	vst v17  }
0x131: {  	v13 =	vor.u32 $0x100, v3;
	[tilespmem:s30+$0xFFFFFFF0] =	vst v8;
	v8 =	vld.idx.msk [tilespmem:v10+s17+$0x0], $0xffff  }
0x132: {  	v5 =	vor.u32 $0x180, v5;
	[tilespmem:s30+$0xFFFFFFB0] =	vst v15;
	v15 =	vld.idx.msk [tilespmem:v16+s17+$0x0], $0xffff  }
0x133: {  	v16 =	vor.u32 $0x100, v0;
	v4 =	vld.idx.msk [tilespmem:v4+s17+$0x0], $0xffff  }
0x134: {  	v2 =	vor.u32 $0x180, v2;
	[tilespmem:s30+$0xFFFFFFE0] =	vst v9;
	v12 =	vld.idx.msk [tilespmem:v12+s17+$0x0], $0xffff  }
0x135: {  	v7 =	vor.u32 $0x180, v7;
	[tilespmem:s30+$0x50] =	vst v11;
	v10 =	vld.idx.msk [tilespmem:v14+s17+$0x0], $0xffff  }
0x136: {  	v6 =	vor.u32 $0x180, v6;
	v9 =	vld.idx.msk [tilespmem:v13+s17+$0x0], $0xffff;
	[tilespmem:s30+$0x20] =	vst v8  }
0x137: {  	v1 =	vor.u32 $0x180, v1;
	v5 =	vld.idx.msk [tilespmem:v5+s17+$0x0], $0xffff;
	[tilespmem:s30+$0x10] =	vst v15  }
0x138: {  	v3 =	vor.u32 $0x180, v3;
	v11 =	vld.idx.msk [tilespmem:v16+s17+$0x0], $0xffff;
	[tilespmem:s30+$0x80] =	vst v4  }
0x139: {  	v0 =	vor.u32 $0x180, v0;
	v2 =	vld.idx.msk [tilespmem:v2+s17+$0x0], $0xffff;
	[tilespmem:s30+$0x30] =	vst v12  }
0x13a: {  	v7 =	vld.idx.msk [tilespmem:v7+s17+$0x0], $0xffff;
	[tilespmem:s30+$0x60] =	vst v10  }
0x13b: {  	v4 =	vld.idx.msk [tilespmem:v6+s17+$0x0], $0xffff;
	[tilespmem:s30+$0x70] =	vst v9  }
0x13c: {  	v1 =	vld.idx.msk [tilespmem:v1+s17+$0x0], $0xffff;
	[tilespmem:s30+$0xD0] =	vst v5  }
0x13d: {  	v3 =	vld.idx.msk [tilespmem:v3+s17+$0x0], $0xffff;
	[tilespmem:s30+$0x40] =	vst v11  }
0x13e: {  	[tilespmem:s30+$0xA0] =	vst v2;
	v0 =	vld.idx.msk [tilespmem:v0+s17+$0x0], $0xffff  }
0x13f: {  	[tilespmem:s30+$0x90] =	vst v7  }
0x140: {  	[tilespmem:s30+$0xB0] =	vst v4  }
0x141: {  	p0 =	sgt.u32 s29, $0x3E;
	[tilespmem:s30+$0xE0] =	vst v1  }
0x142: {  	s0 =	sshll.u32 @!p0 s29, $0x11;
	s1 =	simm.s32 @!p0 $0x200;
	[tilespmem:s30+$0xF0] =	vst v3  }
0x143: {  	s2 =	simm.s32 @!p0 $0x400;
	s0 =	sadd.s32 @!p0 s13, s0;
	[tilespmem:s30+$0xC0] =	vst v0;
	s30 =	simm.s32 @!p0 $0x1000  }
0x144: {  	[tilespmem:s30], [sflag:$0x1] =	stream.strided.gather @!p0 [hbm4b:s0+s1], $0x4000, s2, s1, $0x38;
	[tilespmem:$0x19000] =	vst v63  }
0x145: {  	_ =	swait.ge [sflag:s20], $0x4000  }
0x146: {  	[sflag:s20] =	ssyncset.done $0x0  }
0x147: {  	s31 =	simm.s32 $0x40;
	[sflag:s20] =	ssyncadd.s32 $0xFFFFC000  }
0x148: {  	v0 =	vld [tilespmem:s31+$0xFFFFFFC0]  }
0x149: {  	v1 =	vld [tilespmem:s31+$0x10]  }
0x14a: {  	v3 =	vld [tilespmem:s31+$0xFFFFFFE0]  }
0x14b: {  	v2 =	vld [tilespmem:s31+$0x0];
	_ =	sdelay $0x1  }
0x14c: {  	v6 =	vld [tilespmem:s31+$0x20]  }
0x14d: {  	v7 =	vld [tilespmem:s31+$0xFFFFFFF0];
	v4 =	vshll.u32 v0, $0x2;
	v0 =	vand.u32 $0x7F, v0;
	v5 =	vshll.u32 v1, $0x2  }
0x14e: {  	v1 =	vand.u32 $0x7F, v1;
	v9 =	vshll.u32 v3, $0x2;
	v4 =	vand.u32 $0xFFFFFE00, v4  }
0x14f: {  	v8 =	vld [tilespmem:s31+$0xFFFFFFD0];
	v3 =	vand.u32 $0x7F, v3;
	v4 =	vor.u32 v0, v4;
	v0 =	vshll.u32 v2, $0x2  }
0x150: {  	v5 =	vand.u32 $0xFFFFFE00, v5;
	v2 =	vand.u32 $0x7F, v2;
	v0 =	vand.u32 $0xFFFFFE00, v0  }
0x151: {  	v5 =	vor.u32 v1, v5;
	v0 =	vor.u32 v2, v0;
	v2 =	vand.u32 $0xFFFFFE00, v9;
	v9 =	vld [tilespmem:s31+$0x30]  }
0x152: {  	v11 =	vand.u32 $0x7F, v7;
	v2 =	vor.u32 v3, v2;
	v3 =	vshll.u32 v6, $0x2  }
0x153: {  	v1 =	vand.u32 $0x7F, v6;
	v12 =	vor.u32 $0x80, v4;
	v3 =	vand.u32 $0xFFFFFE00, v3  }
0x154: {  	v6 =	vshll.u32 v7, $0x2;
	v10 =	vld.idx.msk [tilespmem:v4+s18+$0x0], $0xffff;
	v1 =	vor.u32 v1, v3;
	v3 =	vshll.u32 v8, $0x2  }
0x155: {  	v6 =	vand.u32 $0xFFFFFE00, v6;
	v8 =	vand.u32 $0x7F, v8;
	v3 =	vand.u32 $0xFFFFFE00, v3  }
0x156: {  	v6 =	vor.u32 v11, v6;
	v17 =	vld.idx.msk [tilespmem:v5+s18+$0x0], $0xffff;
	v7 =	vor.u32 v8, v3;
	v3 =	vshll.u32 v9, $0x2  }
0x157: {  	v13 =	vld.idx.msk [tilespmem:v0+s18+$0x0], $0xffff;
	v8 =	vand.u32 $0x7F, v9;
	v3 =	vand.u32 $0xFFFFFE00, v3  }
0x158: {  	s30 =	simm.s32 $0x113F0;
	v11 =	vld.idx.msk [tilespmem:v2+s18+$0x0], $0xffff;
	v3 =	vor.u32 v8, v3  }
0x159: {  	v20 =	vor.u32 $0x80, v0;
	[tilespmem:s30+$0xFFFFFE10] =	vst v10;
	v10 =	vld.idx.msk [tilespmem:v1+s18+$0x0], $0xffff  }
0x15a: {  	v18 =	vld.idx.msk [tilespmem:v12+s18+$0x0], $0xffff;
	v12 =	vor.u32 $0x80, v5  }
0x15b: {  	v15 =	vor.u32 $0x80, v2;
	v16 =	vld.idx.msk [tilespmem:v6+s18+$0x0], $0xffff  }
0x15c: {  	s0 =	simm.s32 $0x0;
	s1 =	simm.s32 $0xC0;
	s2 =	simm.s32 $0x113F0;
	v9 =	vor.u32 $0x80, v1;
	v14 =	vor.u32 $0x80, v7;
	v8 =	vor.u32 $0x80, v3;
	v19 =	vld.idx.msk [tilespmem:v7+s18+$0x0], $0xffff  }
.LBB2_9:
0x15d: {  	s0 =	sadd.s32 $0x8, s0;
	[tilespmem:s30+$0xFFFFFE50] =	vst v13;
	v13 =	vld.idx.msk [tilespmem:v3+s18+$0x0], $0xffff;
	s2 =	sadd.s32 $0x400, s2  }
0x15e: {  	p1 =	slt.u32 s0, $0xF8;
	v20 =	vld.idx.msk [tilespmem:v20+s18+$0x0], $0xffff;
	[tilespmem:s30+$0xFFFFFE60] =	vst v17  }
0x15f: {  	v17 =	vor.u32 $0x100, v4;
	v12 =	vld.idx.msk [tilespmem:v12+s18+$0x0], $0xffff  }
0x160: {  	v21 =	vld [tilespmem:s1+$0x10];
	[tilespmem:s30+$0xFFFFFE90] =	vst v18  }
0x161: {  	v18 =	vld [tilespmem:s1+$0xFFFFFFE0];
	[tilespmem:s30+$0xFFFFFE20] =	vst v19;
	v19 =	vor.u32 $0x80, v6  }
0x162: {  	v14 =	vld.idx.msk [tilespmem:v14+s18+$0x0], $0xffff;
	[tilespmem:s30+$0xFFFFFE30] =	vst v11  }
0x163: {  	v11 =	vld.idx.msk [tilespmem:v15+s18+$0x0], $0xffff;
	[tilespmem:s30+$0xFFFFFE80] =	vst v13  }
0x164: {  	v13 =	vld.idx.msk [tilespmem:v17+s18+$0x0], $0xffff;
	[tilespmem:s30+$0xFFFFFED0] =	vst v20  }
0x165: {  	v15 =	vld [tilespmem:s1+$0xFFFFFFF0];
	[tilespmem:s30+$0xFFFFFE40] =	vst v16  }
0x166: {  	v16 =	vld.idx.msk [tilespmem:v19+s18+$0x0], $0xffff;
	[tilespmem:s30+$0xFFFFFEE0] =	vst v12  }
0x167: {  	v12 =	vld [tilespmem:s1+$0xFFFFFFC0];
	[tilespmem:s30+$0xFFFFFE70] =	vst v10  }
0x168: {  	[tilespmem:s30+$0xFFFFFEA0] =	vst v14;
	v8 =	vld.idx.msk [tilespmem:v8+s18+$0x0], $0xffff  }
0x169: {  	v10 =	vld [tilespmem:s1+$0x20];
	[tilespmem:s30+$0xFFFFFEB0] =	vst v11;
	v11 =	vor.u32 $0x100, v5  }
0x16a: {  	v14 =	vld [tilespmem:s1+$0x30];
	[tilespmem:s30+$0xFFFFFF10] =	vst v13;
	v13 =	vor.u32 $0x100, v7  }
0x16b: {  	v19 =	vor.u32 $0x100, v6;
	v17 =	vld [tilespmem:s1+$0xFFFFFFD0]  }
0x16c: {  	v20 =	vor.u32 $0x180, v4;
	[tilespmem:s30+$0xFFFFFEC0] =	vst v16;
	v9 =	vld.idx.msk [tilespmem:v9+s18+$0x0], $0xffff  }
0x16d: {  	v22 =	vor.u32 $0x100, v2;
	v23 =	vor.u32 $0x180, v5;
	v5 =	vor.u32 $0x100, v1;
	v16 =	vld [tilespmem:s1+$0x0]  }
0x16e: {  	v24 =	vor.u32 $0x100, v0;
	v4 =	vshll.u32 v12, $0x2;
	v11 =	vld.idx.msk [tilespmem:v11+s18+$0x0], $0xffff;
	[tilespmem:s30+$0xFFFFFF00] =	vst v8;
	v8 =	vor.u32 $0x100, v3  }
0x16f: {  	v4 =	vand.u32 $0xFFFFFE00, v4;
	v25 =	vand.u32 $0x7F, v14;
	v14 =	vshll.u32 v14, $0x2;
	v13 =	vld.idx.msk [tilespmem:v13+s18+$0x0], $0xffff  }
0x170: {  	v6 =	vor.u32 $0x180, v6;
	v12 =	vand.u32 $0x7F, v12;
	v14 =	vand.u32 $0xFFFFFE00, v14;
	v19 =	vld.idx.msk [tilespmem:v19+s18+$0x0], $0xffff  }
0x171: {  	v7 =	vor.u32 $0x180, v7;
	v4 =	vor.u32 v12, v4;
	v12 =	vshll.u32 v21, $0x2;
	v20 =	vld.idx.msk [tilespmem:v20+s18+$0x0], $0xffff  }
0x172: {  	v26 =	vshll.u32 v15, $0x2;
	v14 =	vor.u32 v25, v14;
	v27 =	vshll.u32 v16, $0x2;
	v22 =	vld.idx.msk [tilespmem:v22+s18+$0x0], $0xffff;
	[tilespmem:s30+$0xFFFFFEF0] =	vst v9  }
0x173: {  	v21 =	vand.u32 $0x7F, v21;
	v9 =	vand.u32 $0xFFFFFE00, v26;
	v16 =	vand.u32 $0x7F, v16;
	v25 =	vld.idx.msk [tilespmem:v5+s18+$0x0], $0xffff  }
0x174: {  	v12 =	vand.u32 $0xFFFFFE00, v12;
	v26 =	vor.u32 $0x180, v2;
	v5 =	vand.u32 $0xFFFFFE00, v27;
	[tilespmem:s30+$0xFFFFFF60] =	vst v11;
	v8 =	vld.idx.msk [tilespmem:v8+s18+$0x0], $0xffff  }
0x175: {  	v2 =	vshll.u32 v18, $0x2;
	v11 =	vor.u32 v16, v5;
	v5 =	vor.u32 v21, v12;
	[tilespmem:s30+$0xFFFFFF20] =	vst v13;
	v12 =	vld.idx.msk [tilespmem:v24+s18+$0x0], $0xffff  }
0x176: {  	v2 =	vand.u32 $0xFFFFFE00, v2;
	v13 =	vor.u32 $0x180, v3;
	v3 =	vmov v14;
	v7 =	vld.idx.msk [tilespmem:v7+s18+$0x0], $0xffff;
	[tilespmem:s30+$0xFFFFFF40] =	vst v19  }
0x177: {  	v14 =	vand.u32 $0x7F, v18;
	v18 =	vor.u32 $0x180, v0;
	v0 =	vmovc v11;
	v19 =	vor.u32 $0x180, v1;
	[tilespmem:s30+$0xFFFFFF90] =	vst v20;
	v16 =	vld.idx.msk [tilespmem:v6+s18+$0x0], $0xffff  }
0x178: {  	v21 =	vor.u32 $0x80, v4;
	v2 =	vor.u32 v14, v2;
	v1 =	vand.u32 $0x7F, v15;
	[tilespmem:s30+$0xFFFFFF30] =	vst v22;
	v11 =	vld.idx.msk [tilespmem:v23+s18+$0x0], $0xffff  }
0x179: {  	v6 =	vor.u32 v1, v9;
	v1 =	vshll.u32 v10, $0x2;
	v9 =	vld.idx.msk [tilespmem:v26+s18+$0x0], $0xffff;
	[tilespmem:s30+$0xFFFFFF70] =	vst v25  }
0x17a: {  	v10 =	vand.u32 $0x7F, v10;
	v1 =	vand.u32 $0xFFFFFE00, v1;
	v15 =	vld.idx.msk [tilespmem:v4+s18+$0x0], $0xffff;
	[tilespmem:s30+$0xFFFFFF80] =	vst v8  }
0x17b: {  	v1 =	vor.u32 v10, v1;
	[tilespmem:s30+$0xFFFFFF50] =	vst v12;
	v22 =	vld.idx.msk [tilespmem:v13+s18+$0x0], $0xffff  }
0x17c: {  	v8 =	vshll.u32 v17, $0x2;
	v12 =	vor.u32 $0x80, v5;
	v13 =	vld.idx.msk [tilespmem:v0+s18+$0x0], $0xffff;
	[tilespmem:s30+$0xFFFFFFA0] =	vst v7  }
0x17d: {  	v10 =	vand.u32 $0xFFFFFE00, v8;
	v8 =	vor.u32 $0x80, v3;
	v7 =	vand.u32 $0x7F, v17;
	[tilespmem:s30+$0xFFFFFFC0] =	vst v16;
	v16 =	vld.idx.msk [tilespmem:v18+s18+$0x0], $0xffff  }
0x17e: {  	v7 =	vor.u32 v7, v10;
	[tilespmem:s30+$0xFFFFFFE0] =	vst v11;
	v23 =	vld.idx.msk [tilespmem:v19+s18+$0x0], $0xffff  }
0x17f: {  	v14 =	vor.u32 $0x80, v7;
	v11 =	vld.idx.msk [tilespmem:v2+s18+$0x0], $0xffff  }
.Ltmp3:
0x180: {  	[tilespmem:s2+$0xFFFFFE10] =	vst v15;
	v15 =	vor.u32 $0x80, v2;
	v17 =	vld.idx.msk [tilespmem:v5+s18+$0x0], $0xffff;
	(pc) =	sbr.rel @p1 .LBB2_9-.Ltmp3, $4  }
0x181: {  	v20 =	vor.u32 $0x80, v0;
	v10 =	vld.idx.msk [tilespmem:v1+s18+$0x0], $0xffff;
	[tilespmem:s30+$0x0] =	vst v22  }
0x182: {  	v18 =	vld.idx.msk [tilespmem:v21+s18+$0x0], $0xffff;
	[tilespmem:s30+$0xFFFFFFB0] =	vst v9  }
0x183: {  	v19 =	vld.idx.msk [tilespmem:v7+s18+$0x0], $0xffff;
	[tilespmem:s30+$0xFFFFFFD0] =	vst v16  }
0x184: {  	s1 =	sadd.s32 $0x80, s1;
	v9 =	vor.u32 $0x80, v1;
	v16 =	vld.idx.msk [tilespmem:v6+s18+$0x0], $0xffff;
	[tilespmem:s30+$0xFFFFFFF0] =	vst v23;
	s30 =	smov.u32 s2  }
0x185: {  	_ =	sdelay $0x1  }
0x186: {  	[tilespmem:s30+$0xFFFFFE50] =	vst v13  }
0x187: {  	[tilespmem:s30+$0xFFFFFE60] =	vst v17  }
0x188: {  	v34 =	vld.idx.msk [tilespmem:v3+s18+$0x0], $0xffff;
	[tilespmem:s30+$0xFFFFFE30] =	vst v11  }
0x189: {  	v36 =	vor.u32 $0x80, v6;
	v35 =	vld.idx.msk [tilespmem:v20+s18+$0x0], $0xffff;
	[tilespmem:s30+$0xFFFFFE70] =	vst v10  }
0x18a: {  	v37 =	vor.u32 $0x100, v4;
	v12 =	vld.idx.msk [tilespmem:v12+s18+$0x0], $0xffff;
	[tilespmem:s30+$0xFFFFFE90] =	vst v18  }
0x18b: {  	v39 =	vld.idx.msk [tilespmem:v15+s18+$0x0], $0xffff;
	[tilespmem:s30+$0xFFFFFE20] =	vst v19  }
0x18c: {  	v40 =	vor.u32 $0x100, v5;
	v9 =	vld.idx.msk [tilespmem:v9+s18+$0x0], $0xffff;
	[tilespmem:s30+$0xFFFFFE40] =	vst v16  }
0x18d: {  	v46 =	vor.u32 $0x100, v2;
	v38 =	vld.idx.msk [tilespmem:v14+s18+$0x0], $0xffff;
	[tilespmem:s30+$0xFFFFFE80] =	vst v34  }
0x18e: {  	v51 =	vor.u32 $0x100, v0;
	v41 =	vld.idx.msk [tilespmem:v36+s18+$0x0], $0xffff;
	[tilespmem:s30+$0xFFFFFED0] =	vst v35  }
0x18f: {  	v49 =	vor.u32 $0x100, v1;
	v43 =	vld.idx.msk [tilespmem:v37+s18+$0x0], $0xffff;
	[tilespmem:s30+$0xFFFFFEE0] =	vst v12  }
0x190: {  	v42 =	vor.u32 $0x100, v7;
	v8 =	vld.idx.msk [tilespmem:v8+s18+$0x0], $0xffff;
	[tilespmem:s30+$0xFFFFFEB0] =	vst v39  }
0x191: {  	v44 =	vor.u32 $0x100, v6;
	v47 =	vld.idx.msk [tilespmem:v40+s18+$0x0], $0xffff;
	[tilespmem:s30+$0xFFFFFEF0] =	vst v9  }
0x192: {  	v45 =	vor.u32 $0x180, v4;
	v54 =	vld.idx.msk [tilespmem:v46+s18+$0x0], $0xffff;
	[tilespmem:s30+$0xFFFFFEA0] =	vst v38  }
0x193: {  	v48 =	vor.u32 $0x100, v3;
	v60 =	vld.idx.msk [tilespmem:v51+s18+$0x0], $0xffff;
	[tilespmem:s30+$0xFFFFFEC0] =	vst v41  }
0x194: {  	v55 =	vor.u32 $0x180, v5;
	v57 =	vld.idx.msk [tilespmem:v49+s18+$0x0], $0xffff;
	[tilespmem:s30+$0xFFFFFF10] =	vst v43  }
0x195: {  	v59 =	vor.u32 $0x180, v2;
	v50 =	vld.idx.msk [tilespmem:v42+s18+$0x0], $0xffff;
	[tilespmem:s30+$0xFFFFFF00] =	vst v8  }
0x196: {  	v61 =	vor.u32 $0x180, v0;
	v12 =	vld.idx.msk [tilespmem:v44+s18+$0x0], $0xffff;
	[tilespmem:s30+$0xFFFFFF60] =	vst v47  }
0x197: {  	v63 =	vor.u32 $0x180, v1;
	v4 =	vld.idx.msk [tilespmem:v45+s18+$0x0], $0xffff;
	[tilespmem:s30+$0xFFFFFF30] =	vst v54  }
0x198: {  	v52 =	vor.u32 $0x180, v7;
	v56 =	vld.idx.msk [tilespmem:v48+s18+$0x0], $0xffff;
	[tilespmem:s30+$0xFFFFFF50] =	vst v60  }
0x199: {  	v53 =	vor.u32 $0x180, v6;
	v5 =	vld.idx.msk [tilespmem:v55+s18+$0x0], $0xffff;
	[tilespmem:s30+$0xFFFFFF70] =	vst v57  }
0x19a: {  	v58 =	vor.u32 $0x180, v3;
	v2 =	vld.idx.msk [tilespmem:v59+s18+$0x0], $0xffff;
	[tilespmem:s30+$0xFFFFFF20] =	vst v50  }
0x19b: {  	v0 =	vld.idx.msk [tilespmem:v61+s18+$0x0], $0xffff;
	[tilespmem:s30+$0xFFFFFF40] =	vst v12  }
0x19c: {  	v1 =	vld.idx.msk [tilespmem:v63+s18+$0x0], $0xffff;
	[tilespmem:s30+$0xFFFFFF90] =	vst v4  }
0x19d: {  	v7 =	vld.idx.msk [tilespmem:v52+s18+$0x0], $0xffff;
	[tilespmem:s30+$0xFFFFFF80] =	vst v56  }
0x19e: {  	v62 =	vld.idx.msk [tilespmem:v53+s18+$0x0], $0xffff;
	[tilespmem:s30+$0xFFFFFFE0] =	vst v5  }
0x19f: {  	v3 =	vld.idx.msk [tilespmem:v58+s18+$0x0], $0xffff;
	[tilespmem:s30+$0xFFFFFFB0] =	vst v2  }
0x1a0: {  	[tilespmem:s30+$0xFFFFFFD0] =	vst v0  }
0x1a1: {  	[tilespmem:s30+$0xFFFFFFF0] =	vst v1  }
0x1a2: {  	[tilespmem:s30+$0xFFFFFFA0] =	vst v7  }
0x1a3: {  	s0 =	sadd.s32 @!p0 s28, s10;
	s1 =	simm.s32 @!p0 $0x200;
	[tilespmem:s30+$0xFFFFFFC0] =	vst v62  }
0x1a4: {  	s2 =	simm.s32 @!p0 $0x400;
	s28 =	simm.s32 @!p0 $0x5000;
	s26 =	sadd.s32 $0x1, s26;
	[tilespmem:s30+$0x0] =	vst v3  }
0x1a5: {  	[tilespmem:s28], [sflag:$0x2] =	stream.strided.gather @!p0 [hbm4b:s0+s1], $0x4000, s2, s1, $0x38;
	[tilespmem:$0x19000] =	vst v63  }
0x1a6: {  	p0 =	sne.s32 s26, $0x20  }
.Ltmp4:
0x1a7: {  	_ = 	snop;
	(pc) =	sbr.rel @p0 .LBB2_2-.Ltmp4, $4  }
0x1a8: {  	_ = 	snop  }
0x1a9: {  	s31 =	sshll.u32 s29, $0x11  }
0x1aa: {  	s0 =	sadd.s32 s31, s11  }
0x1ab: {  	[hbm4b:s0+s4] =	stream.linear.scatter [tilespmem:s22], [sflag:$0x4], $0x8000, $0x38;
	[tilespmem:$0x19000] =	vst v63  }
0x1ac: {  	s25 =	sadd.s32 $0x1, s25  }
0x1ad: {  	_ =	swait.ge [sflag:s23], $0x8000;
	p0 =	sne.s32 s25, s12  }
.Ltmp5:
0x1ae: {  	[sflag:s23] =	ssyncset.done $0x0;
	(pc) =	sbr.rel @p0 .LBB2_1-.Ltmp5, $4  }
0x1af: {  	[sflag:s23] =	ssyncadd.s32 $0xFFFF8000  }
0x1b0: {  	_ =	swait.ge [sflag:s24], $0x8000  }
0x1b1: {  	[sflag:s24] =	ssyncset.done $0x0  }
0x1b2: {  	[sflag:s24] =	ssyncadd.s32 $0xFFFF8000  }
0x1b3: {  	_ =	sfence.sel $0x180000  }
0x1b4: {  	[bflag:$0x0] =	sbarrier.arrive $0xFFFF  }
0x1b5: {  	_ =	strace $0x90000047  }
0x1b6: {  	s0 =	stileid.u32;
	[bflag:$0x2] =	sbarrier.arrive $0xFFFF  }
0x1b7: {  	p0 =	sne.s32 s0, $0x0;
	s0 =	rddreg [dreg:$0x3]  }
0x1b8: {  	s0 =	sadd.s32 @!p0 $0x100000, s0  }
0x1b9: {  	[sflag:s0] =	ssyncadd.tile.s32 @!p0 $0x1;
	_ =	shalt  }
.Lfunc_end2:
_tile_overlayer_lowered:
.L_overlay_start_2:
0x1ba: {  	(tag) =	ssettag $0x2  }
0x1bb: {  	s0 =	rddreg [dreg:$0x0];
	s2 =	stileid.u32  }
0x1bc: {  	s1 =	rddreg [dreg:$0x1];
	p0 =	sne.s32 s2, $0x0  }
0x1bd: {  	s3 =	rddreg [dreg:$0x2];
	[bflag:$0x3] =	sbarrier.arrive $0xFFFF;
	s2 =	simm.s32 @!p0 $0x1C05  }
0x1be: {  	[timem:s3], [sflag:s2] =	dma.local @!p0 [hbm:s0], s1  }
0x1bf: {  	s0 =	simm.s32 @!p0 $0x5  }
0x1c0: {  	_ =	swait.ge @!p0 [sflag:s0], s1  }
0x1c1: {  	s1 =	ssub.s32 @!p0 $0x0, s1;
	[sflag:s0] =	ssyncset.done @!p0 $0x0  }
0x1c2: {  	[sflag:s0] =	ssyncadd.s32 @!p0 s1  }
0x1c3: {  	[bflag:$0x3] =	sbarrier.arrive $0xFFFF  }
0x1c4: {  	_ =	shalt  }

</sc_bundles>
